<compile_context>
chip_gen: v7x
topology: tpu7x:2x2x1
jax: 0.10.2.dev20260603
libtpu: 0.0.44.dev20260713+nightly
codegen_flags: <defaults>
</compile_context>

<pallas_src>
import functools

import numpy as np
import jax
import jax.numpy as jnp
from jax.experimental import pallas as pl
from jax.experimental.pallas import tpu as pltpu
from jax.experimental.pallas import tpu_sc as plsc

_B, _L, _DIN = 8, 2048, 16
_NT, _PD = 6, 6
_DM = 40
_T = _DIN * _L

_TT = np.linspace(-np.pi, np.pi, 20001)
_A = np.stack([_TT, _TT**3, _TT**5, _TT**7, _TT**9, _TT**11], axis=1)
_C = np.linalg.lstsq(_A, np.sin(_TT), rcond=None)[0].astype(np.float32)
_INV2PI = np.float32(1.0 / (2.0 * np.pi))
_TWOPI = np.float32(2.0 * np.pi)


def _psin(x):
    y = x * _INV2PI
    t = (y - jnp.round(y)) * _TWOPI
    t2 = t * t
    p = _C[5]
    for c in (_C[4], _C[3], _C[2], _C[1], _C[0]):
        p = p * t2 + c
    return t * p


def _f32(x):
    return x.astype(jnp.float32)


def _sc_var_idx():
    mesh = plsc.VectorSubcoreMesh(core_axis_name="c", subcore_axis_name="s")
    nw = 2 * 16
    chunk = _T // 4

    @functools.partial(
        pl.kernel,
        out_type=jax.ShapeDtypeStruct((_B, _T), jnp.int32),
        mesh=mesh,
        scratch_types=[pltpu.VMEM((chunk,), jnp.int32)],
    )
    def k(var_hbm, buf):
        wid = jax.lax.axis_index("s") * 2 + jax.lax.axis_index("c")
        b = wid // 4
        q = wid % 4

        def body(j, carry):
            buf[pl.ds(j * 16, 16)] = (jnp.zeros((16,), jnp.int32)
                                      + (q * 4 + j // 128))
            return carry

        jax.lax.fori_loop(0, chunk // 16, body, 0)
        pltpu.sync_copy(buf, var_hbm.at[b, pl.ds(q * chunk, chunk)])

    return k()


def _body(inp_ref, dates_ref, cmax_ref, tw_ref, tb_ref, local_ref, space_ref,
          out_ref, base_ref):
    b = pl.program_id(0)

    c40_6 = jax.lax.broadcasted_iota(jnp.int32, (_DM, _NT), 0)
    i40_6 = jax.lax.broadcasted_iota(jnp.int32, (_DM, _NT), 1)
    trow = (c40_6 >= 1) & (c40_6 <= 36)
    u = _f32(trow & (i40_6 == (c40_6 - 1) // _PD))
    j6_40 = jax.lax.broadcasted_iota(jnp.int32, (_NT, _DM), 0)
    c6_40 = jax.lax.broadcasted_iota(jnp.int32, (_NT, _DM), 1)
    v = _f32((c6_40 >= 1) & (c6_40 <= 36) & (j6_40 == (c6_40 - 1) % _PD))
    c40_3 = jax.lax.broadcasted_iota(jnp.int32, (_DM, 3), 0)
    h40_3 = jax.lax.broadcasted_iota(jnp.int32, (_DM, 3), 1)
    s3t = _f32(c40_3 == 37 + h40_3)

    bsub6 = jax.lax.broadcasted_iota(jnp.int32, (_NT, _B, _L), 1)
    dates_b = jnp.sum(jnp.where(bsub6 == b, dates_ref[...], 0.0), axis=1)
    bsub3 = jax.lax.broadcasted_iota(jnp.int32, (3, _B, _L), 1)
    cmax_b = jnp.sum(jnp.where(bsub3 == b, cmax_ref[...], 0.0), axis=1)

    dw = jnp.dot(jnp.dot(u, tw_ref[...], preferred_element_type=jnp.float32),
                 v, preferred_element_type=jnp.float32)
    db = jnp.dot(jnp.dot(u, tb_ref[...], preferred_element_type=jnp.float32),
                 v, preferred_element_type=jnp.float32)
    r0 = jax.lax.broadcasted_iota(jnp.int32, (_DM, _DM), 0)
    r1 = jax.lax.broadcasted_iota(jnp.int32, (_DM, _DM), 1)
    eye = _f32(r0 == r1)
    w40 = jnp.sum(dw * eye, axis=1, keepdims=True)
    b40 = jnp.sum(db * eye, axis=1, keepdims=True)

    dates_spread = jnp.dot(u, dates_b, preferred_element_type=jnp.float32)
    lin = (dates_spread * w40 + b40
           + jnp.dot(s3t, cmax_b, preferred_element_type=jnp.float32))
    row = jax.lax.broadcasted_iota(jnp.int32, (_DM, 1), 0)
    sinmask = (row >= 1) & (row <= 36) & ((row - 1) % _PD != 0)
    base_ref[...] = local_ref[...] + jnp.where(sinmask, _psin(lin), lin)

    base0 = base_ref[0:1, :]
    inp_b = inp_ref[0]
    for d in range(_DIN):
        sl = pl.ds(d * _L, _L)
        out_ref[0, :, sl] = base_ref[...]
        out_ref[0, 0:1, sl] = (base0 + inp_b[d:d + 1, :]
                               + space_ref[0:1, d:d + 1])


def kernel(input, dates, cmax, time_w, time_b, local_emb, space_emb):
    inp_t = jnp.transpose(input, (0, 2, 1))
    dates_t = jnp.transpose(dates, (2, 0, 1))
    cmax_t = jnp.transpose(cmax, (2, 0, 1))
    local_t = jnp.transpose(local_emb)
    space_t = jnp.transpose(space_emb)

    [out_cm] = pl.pallas_call(
        _body,
        grid=(_B,),
        in_specs=[
            pl.BlockSpec((1, _DIN, _L), lambda b: (b, 0, 0)),
            pl.BlockSpec((_NT, _B, _L), lambda b: (0, 0, 0)),
            pl.BlockSpec((3, _B, _L), lambda b: (0, 0, 0)),
            pl.BlockSpec((_NT, _NT), lambda b: (0, 0)),
            pl.BlockSpec((_NT, _NT), lambda b: (0, 0)),
            pl.BlockSpec((_DM, _L), lambda b: (0, 0)),
            pl.BlockSpec((1, _DIN), lambda b: (0, 0)),
        ],
        out_specs=[
            pl.BlockSpec((1, _DM, _T), lambda b: (b, 0, 0)),
        ],
        out_shape=[
            jax.ShapeDtypeStruct((_B, _DM, _T), jnp.float32),
        ],
        scratch_shapes=[pltpu.VMEM((_DM, _L), jnp.float32)],
        compiler_params=pltpu.CompilerParams(
            dimension_semantics=("arbitrary",),
            vmem_limit_bytes=50 * 1024 * 1024,
        ),
    )(inp_t, dates_t, cmax_t, time_w, time_b, local_t, space_t)
    out = jnp.transpose(out_cm, (0, 2, 1))
    return out, _sc_var_idx()

# --- scband reference (transcript-rebuilt; emitter-appended) ---
"""Pipeline reference for scband-embedding-24567212933659 (READ-ONLY COPY).

The authoritative reference and input builder live on the scoring server;
editing this copy changes nothing except your own understanding.
"""

import jax, jax.numpy as jnp
import numpy as np

B, L, D_INPUT = 8, 2048, 16
N_TIME = 6
TIME_EMB_DIM = 6
D_MODEL = 40
MAX_SEQ_LEN = 4096
CMAX_DIM = 3


def setup_inputs(seed: int = 0) -> dict:
    key = jax.random.key(seed)
    ks = jax.random.split(key, 7)
    return {
        "input": jax.random.normal(ks[0], (B, L, D_INPUT), dtype=jnp.float32),
        "dates": jax.random.uniform(ks[1], (B, L, N_TIME), dtype=jnp.float32),
        "cmax": jax.random.normal(ks[2], (B, L, CMAX_DIM), dtype=jnp.float32),
        "time_w": jax.random.normal(ks[3], (N_TIME, TIME_EMB_DIM), dtype=jnp.float32),
        "time_b": jax.random.normal(ks[4], (N_TIME, TIME_EMB_DIM), dtype=jnp.float32),
        "local_emb": jax.random.normal(ks[5], (MAX_SEQ_LEN, D_MODEL), dtype=jnp.float32) * 0.02,
        "space_emb": jax.random.normal(ks[6], (D_INPUT, 1), dtype=jnp.float32) * 0.02,
    }


def time2vec(x, w, b):
    # torch: diag_embed(x) @ W + bias ; (diag(x) @ W)[i, j] = x_i * W[i, j]
    xa = x[..., None] * w + b  # [B, T, n_time, per_dim]
    xa = jnp.concatenate([xa[..., :1], jnp.sin(xa[..., 1:])], axis=-1)
    return xa.reshape(xa.shape[0], xa.shape[1], -1)  # [B, T, n_time*per_dim]


def reference(input, dates, cmax, time_w, time_b, local_emb, space_emb):
    b, length, d_input = input.shape
    T = d_input * length
    # position embedding (abs): repeat(arange(length), 'l -> b (d l)')
    local_pos = jnp.tile(jnp.arange(length, dtype=jnp.int32), d_input)  # [d*l]
    position_emb = jnp.take(local_emb, local_pos, axis=0)  # [d*l, d_model]
    position_emb = jnp.broadcast_to(position_emb[None], (b, T, local_emb.shape[1]))
    # dates repeated: 'b len x -> b (d_input len) x'
    dates_r = jnp.tile(dates, (1, d_input, 1))
    time_emb = time2vec(dates_r, time_w, time_b)  # [b, T, 36]
    # Flatten: 'b l d -> b (d l) 1'
    val_emb = jnp.transpose(input, (0, 2, 1)).reshape(b, T, 1)
    # var idx: repeat(arange(d_input), 'dy -> b (dy length)')
    var_idx = jnp.repeat(jnp.arange(d_input, dtype=jnp.int32), length)  # [T]
    var_idx_true = jnp.broadcast_to(var_idx[None], (b, T))
    sp = jnp.take(space_emb, var_idx, axis=0)  # [T, 1]
    sp = jnp.broadcast_to(sp[None], (b, T, 1))
    # emb_dropout p=0.0 -> identity
    val_time_emb = jnp.concatenate([val_emb + sp, time_emb], axis=-1)
    # cmax spread: repeat 'b len d -> b (ratio len) d'
    ratio = val_time_emb.shape[1] // cmax.shape[1]
    cmax_spread = jnp.tile(cmax, (1, ratio, 1))
    val_time_emb = jnp.concatenate([val_time_emb, cmax_spread], axis=-1)
    out = position_emb + val_time_emb  # [b, T, d_model]
    # pad_value is None -> mask is None; downsize_convs empty
    return out, var_idx_true

if __name__ == "__main__":
    import jax
    _d = setup_inputs()
    print(jax.jit(kernel)(*tuple(_d.values())))

</pallas_src>

<mosaic_0001>
#map = affine_map<(d0, d1) -> (0, 0)>
module attributes {stable_mosaic.version = 14 : i64} {
  func.func @k(%arg0: i32, %arg1: i32, %arg2: memref<8x32768xi32, #tpu.memory_space<hbm>>, %arg3: memref<8192xi32, #tpu.memory_space<vmem>>) attributes {dimension_semantics = [#tpu.dimension_semantics<core_parallel>, #tpu.dimension_semantics<subcore_parallel>], iteration_bounds = array<i64: 2, 16>, scalar_prefetch = 0 : i64, scratch_operands = 1 : i64, tpu.core_type = #tpu.core_type<sc_vector_subcore>, window_params = [{transform_indices = #map}]} {
    %mul3A = arith.constant 2 : i32
    %mul3A_0 = arith.muli %arg1, %mul3A : i32
    %add3A = arith.addi %mul3A_0, %arg0 : i32
    %jit3A = arith.constant 4 : i32
    %div3A = arith.divsi %add3A, %jit3A : i32
    %sign3A = arith.constant 0 : i32
    %sign3A_1 = arith.cmpi sgt, %add3A, %sign3A : i32
    %sign3A_2 = arith.extui %sign3A_1 : i1 to i32
    %sign3A_3 = arith.constant 0 : i32
    %sign3A_4 = arith.cmpi slt, %add3A, %sign3A_3 : i32
    %sign3A_5 = arith.extui %sign3A_4 : i1 to i32
    %sign3A_6 = arith.subi %sign3A_2, %sign3A_5 : i32
    %sign3A_7 = arith.constant 0 : i32
    %sign3A_8 = arith.cmpi sgt, %jit3A, %sign3A_7 : i32
    %sign3A_9 = arith.extui %sign3A_8 : i1 to i32
    %sign3A_10 = arith.constant 0 : i32
    %sign3A_11 = arith.cmpi slt, %jit3A, %sign3A_10 : i32
    %sign3A_12 = arith.extui %sign3A_11 : i1 to i32
    %sign3A_13 = arith.subi %sign3A_9, %sign3A_12 : i32
    %ne3A = arith.cmpi ne, %sign3A_6, %sign3A_13 : i32
    %rem3A = arith.remsi %add3A, %jit3A : i32
    %ne3A_14 = arith.constant 0 : i32
    %ne3A_15 = arith.cmpi ne, %rem3A, %ne3A_14 : i32
    %and3A = arith.andi %ne3A, %ne3A_15 : i1
    %sub3A = arith.constant 1 : i32
    %sub3A_16 = arith.subi %div3A, %sub3A : i32
    %select_n3A = arith.select %and3A, %sub3A_16, %div3A : i32
    %jit3A_17 = arith.constant 4 : i32
    %eq3A = arith.constant 0 : i32
    %eq3A_18 = arith.cmpi eq, %jit3A_17, %eq3A : i32
    %jit3A_19 = arith.constant 1 : i32
    %select_n3A_20 = arith.select %eq3A_18, %jit3A_19, %jit3A_17 : i32
    %rem3A_21 = arith.remsi %add3A, %select_n3A_20 : i32
    %ne3A_22 = arith.constant 0 : i32
    %ne3A_23 = arith.cmpi ne, %rem3A_21, %ne3A_22 : i32
    %lt3A = arith.constant 0 : i32
    %lt3A_24 = arith.cmpi slt, %rem3A_21, %lt3A : i32
    %lt3A_25 = arith.constant 0 : i32
    %lt3A_26 = arith.cmpi slt, %select_n3A_20, %lt3A_25 : i32
    %ne3A_27 = arith.xori %lt3A_24, %lt3A_26 : i1
    %and3A_28 = arith.andi %ne3A_27, %ne3A_23 : i1
    %add3A_29 = arith.addi %rem3A_21, %select_n3A_20 : i32
    %select_n3A_30 = arith.select %and3A_28, %add3A_29, %rem3A_21 : i32
    %scan3A = arith.constant 0 : i32
    %scan3A_31 = arith.constant 0 : i32
    %scan3A_32 = arith.constant 512 : i32
    %scan3A_33 = arith.addi %scan3A_31, %scan3A_32 : i32
    %scan3A_34 = arith.constant 1 : i32
    scf.for %scan3A_38 = %scan3A_31 to %scan3A_33 step %scan3A_34  : i32 {
      %broadcast_in_dim3A = arith.constant 0 : i32
      %broadcast_in_dim3A_39 = vector.broadcast %broadcast_in_dim3A : i32 to vector<16xi32>
      %mul3A_40 = arith.constant 4 : i32
      %mul3A_41 = arith.muli %select_n3A_30, %mul3A_40 : i32
      %jit3A_42 = arith.constant 128 : i32
      %div3A_43 = arith.divsi %scan3A_38, %jit3A_42 : i32
      %sign3A_44 = arith.constant 0 : i32
      %sign3A_45 = arith.cmpi sgt, %scan3A_38, %sign3A_44 : i32
      %sign3A_46 = arith.extui %sign3A_45 : i1 to i32
      %sign3A_47 = arith.constant 0 : i32
      %sign3A_48 = arith.cmpi slt, %scan3A_38, %sign3A_47 : i32
      %sign3A_49 = arith.extui %sign3A_48 : i1 to i32
      %sign3A_50 = arith.subi %sign3A_46, %sign3A_49 : i32
      %sign3A_51 = arith.constant 0 : i32
      %sign3A_52 = arith.cmpi sgt, %jit3A_42, %sign3A_51 : i32
      %sign3A_53 = arith.extui %sign3A_52 : i1 to i32
      %sign3A_54 = arith.constant 0 : i32
      %sign3A_55 = arith.cmpi slt, %jit3A_42, %sign3A_54 : i32
      %sign3A_56 = arith.extui %sign3A_55 : i1 to i32
      %sign3A_57 = arith.subi %sign3A_53, %sign3A_56 : i32
      %ne3A_58 = arith.cmpi ne, %sign3A_50, %sign3A_57 : i32
      %rem3A_59 = arith.remsi %scan3A_38, %jit3A_42 : i32
      %ne3A_60 = arith.constant 0 : i32
      %ne3A_61 = arith.cmpi ne, %rem3A_59, %ne3A_60 : i32
      %and3A_62 = arith.andi %ne3A_58, %ne3A_61 : i1
      %sub3A_63 = arith.constant 1 : i32
      %sub3A_64 = arith.subi %div3A_43, %sub3A_63 : i32
      %select_n3A_65 = arith.select %and3A_62, %sub3A_64, %div3A_43 : i32
      %add3A_66 = arith.addi %mul3A_41, %select_n3A_65 : i32
      %add3A_67 = vector.broadcast %add3A_66 : i32 to vector<16xi32>
      %add3A_68 = arith.addi %broadcast_in_dim3A_39, %add3A_67 : vector<16xi32>
      %mul3A_69 = arith.constant 16 : i32
      %mul3A_70 = arith.muli %scan3A_38, %mul3A_69 : i32
      %swap3A = arith.index_cast %mul3A_70 : i32 to index
      %swap3A_71 = tpu.vector_load %arg3[%swap3A] {strides = array<i32>} : memref<8192xi32, #tpu.memory_space<vmem>>, vector<16xi32>,
      %swap3A_72 = vector.shape_cast %swap3A_71 : vector<16xi32> to vector<16xi32>
      %swap3A_73 = vector.shape_cast %add3A_68 : vector<16xi32> to vector<16xi32>
      tpu.vector_store %arg3[%swap3A], %swap3A_73 {strides = array<i32>} : memref<8192xi32, #tpu.memory_space<vmem>>, vector<16xi32>,
    }
    %scan3A_35 = arith.constant 512 : i32
    %mul3A_36 = arith.constant 8192 : i32
    %mul3A_37 = arith.muli %select_n3A_30, %mul3A_36 : i32
    "tpu.region"() ({
      %run_scoped3A = tpu.sem_alloc : memref<!tpu.dma_semaphore, #tpu.memory_space<semaphore_mem>>
      %dma_start3A = tpu.memref_slice %arg2[%select_n3A, %mul3A_37] : memref<8x32768xi32, #tpu.memory_space<hbm>> -> memref<1x8192xi32, #tpu.memory_space<hbm>>
      %dma_start3A_38 = tpu.memref_squeeze %dma_start3A : memref<1x8192xi32, #tpu.memory_space<hbm>> -> memref<8192xi32, #tpu.memory_space<hbm>>
      %dma_start3A_39 = tpu.memref_slice %arg2[%select_n3A, %mul3A_37] : memref<8x32768xi32, #tpu.memory_space<hbm>> -> memref<1x8192xi32, #tpu.memory_space<hbm>>
      %dma_start3A_40 = tpu.memref_squeeze %dma_start3A_39 : memref<1x8192xi32, #tpu.memory_space<hbm>> -> memref<8192xi32, #tpu.memory_space<hbm>>
      tpu.enqueue_dma source(%arg3 : memref<8192xi32, #tpu.memory_space<vmem>>) target(%dma_start3A_40 : memref<8192xi32, #tpu.memory_space<hbm>>) target_semaphore(%run_scoped3A : memref<!tpu.dma_semaphore, #tpu.memory_space<semaphore_mem>>)
      %dma_wait3A = tpu.memref_slice %arg2[%select_n3A, %mul3A_37] : memref<8x32768xi32, #tpu.memory_space<hbm>> -> memref<1x8192xi32, #tpu.memory_space<hbm>>
      %dma_wait3A_41 = tpu.memref_squeeze %dma_wait3A : memref<1x8192xi32, #tpu.memory_space<hbm>> -> memref<8192xi32, #tpu.memory_space<hbm>>
      %dma_wait3A_42 = tpu.memref_slice %arg2[%select_n3A, %mul3A_37] : memref<8x32768xi32, #tpu.memory_space<hbm>> -> memref<1x8192xi32, #tpu.memory_space<hbm>>
      %dma_wait3A_43 = tpu.memref_squeeze %dma_wait3A_42 : memref<1x8192xi32, #tpu.memory_space<hbm>> -> memref<8192xi32, #tpu.memory_space<hbm>>
      tpu.wait_dma2 semaphore(%run_scoped3A : memref<!tpu.dma_semaphore, #tpu.memory_space<semaphore_mem>>) src(%arg3 : memref<8192xi32, #tpu.memory_space<vmem>>) dst(%dma_wait3A_43 : memref<8192xi32, #tpu.memory_space<hbm>>)
      tpu.yield
    }) : () -> ()
    return
  }
}

module attributes {stable_mosaic.version = 14 : i64} {
  func.func @_body(%arg0: i32, %arg1: memref<1x16x2048xf32, #tpu.memory_space<vmem>>, %arg2: memref<6x8x2048xf32, #tpu.memory_space<vmem>>, %arg3: memref<3x8x2048xf32, #tpu.memory_space<vmem>>, %arg4: memref<6x6xf32, #tpu.memory_space<vmem>>, %arg5: memref<6x6xf32, #tpu.memory_space<vmem>>, %arg6: memref<40x2048xf32, #tpu.memory_space<vmem>>, %arg7: memref<1x16xf32, #tpu.memory_space<vmem>>, %arg8: memref<1x40x32768xf32, #tpu.memory_space<vmem>>, %arg9: memref<40x2048xf32, #tpu.memory_space<vmem>>) attributes {dimension_semantics = [#tpu.dimension_semantics<arbitrary>], iteration_bounds = array<i64: 8>, scalar_prefetch = 0 : i64, scratch_operands = 1 : i64, tpu.core_type = #tpu.core_type<tc>, window_params = [{transform_indices = @transform_0, window_bounds = array<i64: 1, 16, 2048>}, {pipeline_mode = #tpu.pipeline_mode<synchronous>, transform_indices = @transform_1, window_bounds = array<i64: 6, 8, 2048>}, {pipeline_mode = #tpu.pipeline_mode<synchronous>, transform_indices = @transform_2, window_bounds = array<i64: 3, 8, 2048>}, {pipeline_mode = #tpu.pipeline_mode<synchronous>, transform_indices = @transform_3, window_bounds = array<i64: 6, 6>}, {pipeline_mode = #tpu.pipeline_mode<synchronous>, transform_indices = @transform_4, window_bounds = array<i64: 6, 6>}, {transform_indices = @transform_5, window_bounds = array<i64: 40, 2048>}, {pipeline_mode = #tpu.pipeline_mode<synchronous>, transform_indices = @transform_6, window_bounds = array<i64: 1, 16>}, {transform_indices = @transform_7, window_bounds = array<i64: 1, 40, 32768>}]} {
    %iota3A = tpu.iota {dimensions = array<i32: 0>} : vector<40x6xi32>
    %iota3A_0 = tpu.iota {dimensions = array<i32: 1>} : vector<40x6xi32>
    %ge3A = arith.constant 1 : i32
    %ge3A_1 = vector.broadcast %ge3A : i32 to vector<40x6xi32>
    %ge3A_2 = arith.cmpi sge, %iota3A, %ge3A_1 : vector<40x6xi32>
    %le3A = arith.constant 36 : i32
    %le3A_3 = vector.broadcast %le3A : i32 to vector<40x6xi32>
    %le3A_4 = arith.cmpi sle, %iota3A, %le3A_3 : vector<40x6xi32>
    %and3A = arith.andi %ge3A_2, %le3A_4 : vector<40x6xi1>
    %sub3A = arith.constant 1 : i32
    %sub3A_5 = vector.broadcast %sub3A : i32 to vector<40x6xi32>
    %sub3A_6 = arith.subi %iota3A, %sub3A_5 : vector<40x6xi32>
    %jit3A = arith.constant 6 : i32
    %div3A = vector.broadcast %jit3A : i32 to vector<40x6xi32>
    %div3A_7 = arith.divsi %sub3A_6, %div3A : vector<40x6xi32>
    %sign3A = arith.constant 0 : i32
    %sign3A_8 = vector.broadcast %sign3A : i32 to vector<40x6xi32>
    %sign3A_9 = arith.cmpi sgt, %sub3A_6, %sign3A_8 : vector<40x6xi32>
    %sign3A_10 = arith.extui %sign3A_9 : vector<40x6xi1> to vector<40x6xi32>
    %sign3A_11 = arith.constant 0 : i32
    %sign3A_12 = vector.broadcast %sign3A_11 : i32 to vector<40x6xi32>
    %sign3A_13 = arith.cmpi slt, %sub3A_6, %sign3A_12 : vector<40x6xi32>
    %sign3A_14 = arith.extui %sign3A_13 : vector<40x6xi1> to vector<40x6xi32>
    %sign3A_15 = arith.subi %sign3A_10, %sign3A_14 : vector<40x6xi32>
    %sign3A_16 = arith.constant 0 : i32
    %sign3A_17 = arith.cmpi sgt, %jit3A, %sign3A_16 : i32
    %sign3A_18 = arith.extui %sign3A_17 : i1 to i32
    %sign3A_19 = arith.constant 0 : i32
    %sign3A_20 = arith.cmpi slt, %jit3A, %sign3A_19 : i32
    %sign3A_21 = arith.extui %sign3A_20 : i1 to i32
    %sign3A_22 = arith.subi %sign3A_18, %sign3A_21 : i32
    %ne3A = vector.broadcast %sign3A_22 : i32 to vector<40x6xi32>
    %ne3A_23 = arith.cmpi ne, %sign3A_15, %ne3A : vector<40x6xi32>
    %rem3A = vector.broadcast %jit3A : i32 to vector<40x6xi32>
    %rem3A_24 = arith.remsi %sub3A_6, %rem3A : vector<40x6xi32>
    %ne3A_25 = arith.constant 0 : i32
    %ne3A_26 = vector.broadcast %ne3A_25 : i32 to vector<40x6xi32>
    %ne3A_27 = arith.cmpi ne, %rem3A_24, %ne3A_26 : vector<40x6xi32>
    %and3A_28 = arith.andi %ne3A_23, %ne3A_27 : vector<40x6xi1>
    %sub3A_29 = arith.constant 1 : i32
    %sub3A_30 = vector.broadcast %sub3A_29 : i32 to vector<40x6xi32>
    %sub3A_31 = arith.subi %div3A_7, %sub3A_30 : vector<40x6xi32>
    %select_n3A = arith.select %and3A_28, %sub3A_31, %div3A_7 : vector<40x6xi1>, vector<40x6xi32>
    %eq3A = arith.cmpi eq, %iota3A_0, %select_n3A : vector<40x6xi32>
    %and3A_32 = arith.andi %and3A, %eq3A : vector<40x6xi1>
    %convert_element_type3A = arith.extui %and3A_32 : vector<40x6xi1> to vector<40x6xi32>
    %convert_element_type3A_33 = arith.sitofp %convert_element_type3A : vector<40x6xi32> to vector<40x6xf32>
    %iota3A_34 = tpu.iota {dimensions = array<i32: 0>} : vector<6x40xi32>
    %iota3A_35 = tpu.iota {dimensions = array<i32: 1>} : vector<6x40xi32>
    %ge3A_36 = arith.constant 1 : i32
    %ge3A_37 = vector.broadcast %ge3A_36 : i32 to vector<6x40xi32>
    %ge3A_38 = arith.cmpi sge, %iota3A_35, %ge3A_37 : vector<6x40xi32>
    %le3A_39 = arith.constant 36 : i32
    %le3A_40 = vector.broadcast %le3A_39 : i32 to vector<6x40xi32>
    %le3A_41 = arith.cmpi sle, %iota3A_35, %le3A_40 : vector<6x40xi32>
    %and3A_42 = arith.andi %ge3A_38, %le3A_41 : vector<6x40xi1>
    %sub3A_43 = arith.constant 1 : i32
    %sub3A_44 = vector.broadcast %sub3A_43 : i32 to vector<6x40xi32>
    %sub3A_45 = arith.subi %iota3A_35, %sub3A_44 : vector<6x40xi32>
    %jit3A_46 = arith.constant 6 : i32
    %eq3A_47 = arith.constant 0 : i32
    %eq3A_48 = arith.cmpi eq, %jit3A_46, %eq3A_47 : i32
    %jit3A_49 = arith.constant 1 : i32
    %select_n3A_50 = arith.select %eq3A_48, %jit3A_49, %jit3A_46 : i32
    %rem3A_51 = vector.broadcast %select_n3A_50 : i32 to vector<6x40xi32>
    %rem3A_52 = arith.remsi %sub3A_45, %rem3A_51 : vector<6x40xi32>
    %ne3A_53 = arith.constant 0 : i32
    %ne3A_54 = vector.broadcast %ne3A_53 : i32 to vector<6x40xi32>
    %ne3A_55 = arith.cmpi ne, %rem3A_52, %ne3A_54 : vector<6x40xi32>
    %lt3A = arith.constant 0 : i32
    %lt3A_56 = vector.broadcast %lt3A : i32 to vector<6x40xi32>
    %lt3A_57 = arith.cmpi slt, %rem3A_52, %lt3A_56 : vector<6x40xi32>
    %lt3A_58 = arith.constant 0 : i32
    %lt3A_59 = arith.cmpi slt, %select_n3A_50, %lt3A_58 : i32
    %ne3A_60 = vector.broadcast %lt3A_59 : i1 to vector<6x40xi1>
    %ne3A_61 = vector.broadcast %ne3A_60 : vector<6x40xi1> to vector<6x40xi1>
    %ne3A_62 = arith.xori %lt3A_57, %ne3A_61 : vector<6x40xi1>
    %and3A_63 = arith.andi %ne3A_62, %ne3A_55 : vector<6x40xi1>
    %add3A = vector.broadcast %select_n3A_50 : i32 to vector<6x40xi32>
    %add3A_64 = arith.addi %rem3A_52, %add3A : vector<6x40xi32>
    %select_n3A_65 = arith.select %and3A_63, %add3A_64, %rem3A_52 : vector<6x40xi1>, vector<6x40xi32>
    %eq3A_66 = arith.cmpi eq, %iota3A_34, %select_n3A_65 : vector<6x40xi32>
    %and3A_67 = arith.andi %and3A_42, %eq3A_66 : vector<6x40xi1>
    %convert_element_type3A_68 = arith.extui %and3A_67 : vector<6x40xi1> to vector<6x40xi32>
    %convert_element_type3A_69 = arith.sitofp %convert_element_type3A_68 : vector<6x40xi32> to vector<6x40xf32>
    %iota3A_70 = tpu.iota {dimensions = array<i32: 0>} : vector<40x3xi32>
    %iota3A_71 = tpu.iota {dimensions = array<i32: 1>} : vector<40x3xi32>
    %add3A_72 = arith.constant 37 : i32
    %add3A_73 = vector.broadcast %add3A_72 : i32 to vector<40x3xi32>
    %add3A_74 = arith.addi %add3A_73, %iota3A_71 : vector<40x3xi32>
    %eq3A_75 = arith.cmpi eq, %iota3A_70, %add3A_74 : vector<40x3xi32>
    %convert_element_type3A_76 = arith.extui %eq3A_75 : vector<40x3xi1> to vector<40x3xi32>
    %convert_element_type3A_77 = arith.sitofp %convert_element_type3A_76 : vector<40x3xi32> to vector<40x3xf32>
    %iota3A_78 = tpu.iota {dimensions = array<i32: 1>} : vector<6x8x2048xi32>
    %eq3A_79 = vector.broadcast %arg0 : i32 to vector<6x8x2048xi32>
    %eq3A_80 = arith.cmpi eq, %iota3A_78, %eq3A_79 : vector<6x8x2048xi32>
    %get3A = arith.constant 0 : index
    %get3A_81 = arith.constant 0 : index
    %get3A_82 = arith.constant 0 : index
    %get3A_83 = vector.load %arg2[%get3A, %get3A_81, %get3A_82] : memref<6x8x2048xf32, #tpu.memory_space<vmem>>, vector<6x8x2048xf32>
    %jit3A_84 = arith.constant 0.000000e+00 : f32
    %broadcast_in_dim3A = vector.broadcast %jit3A_84 : f32 to vector<6x8x2048xf32>
    %select_n3A_85 = arith.select %eq3A_80, %get3A_83, %broadcast_in_dim3A : vector<6x8x2048xi1>, vector<6x8x2048xf32>
    %reduce_sum3A = arith.constant dense<0.000000e+00> : vector<6x2048xf32>
    %reduce_sum3A_86 = vector.multi_reduction <add>, %select_n3A_85, %reduce_sum3A [1] : vector<6x8x2048xf32> to vector<6x2048xf32>
    %iota3A_87 = tpu.iota {dimensions = array<i32: 1>} : vector<3x8x2048xi32>
    %eq3A_88 = vector.broadcast %arg0 : i32 to vector<3x8x2048xi32>
    %eq3A_89 = arith.cmpi eq, %iota3A_87, %eq3A_88 : vector<3x8x2048xi32>
    %get3A_90 = arith.constant 0 : index
    %get3A_91 = arith.constant 0 : index
    %get3A_92 = arith.constant 0 : index
    %get3A_93 = vector.load %arg3[%get3A_90, %get3A_91, %get3A_92] : memref<3x8x2048xf32, #tpu.memory_space<vmem>>, vector<3x8x2048xf32>
    %jit3A_94 = arith.constant 0.000000e+00 : f32
    %broadcast_in_dim3A_95 = vector.broadcast %jit3A_94 : f32 to vector<3x8x2048xf32>
    %select_n3A_96 = arith.select %eq3A_89, %get3A_93, %broadcast_in_dim3A_95 : vector<3x8x2048xi1>, vector<3x8x2048xf32>
    %reduce_sum3A_97 = arith.constant dense<0.000000e+00> : vector<3x2048xf32>
    %reduce_sum3A_98 = vector.multi_reduction <add>, %select_n3A_96, %reduce_sum3A_97 [1] : vector<3x8x2048xf32> to vector<3x2048xf32>
    %get3A_99 = arith.constant 0 : index
    %get3A_100 = arith.constant 0 : index
    %get3A_101 = vector.load %arg4[%get3A_99, %get3A_100] : memref<6x6xf32, #tpu.memory_space<vmem>>, vector<6x6xf32>
    %dot_general3A = arith.constant dense<0.000000e+00> : vector<40x6xf32>
    %dot_general3A_102 = tpu.matmul %convert_element_type3A_33, %get3A_101, %dot_general3A {dimension_numbers = #tpu.dot_dimension_numbers<[1], [0], [0], [1], [0, 0, 1, 1], [], []>, transpose_lhs_hint = false} : vector<40x6xf32>, vector<6x6xf32>, vector<40x6xf32> -> vector<40x6xf32>
    %dot_general3A_103 = arith.constant dense<0.000000e+00> : vector<40x40xf32>
    %dot_general3A_104 = tpu.matmul %dot_general3A_102, %convert_element_type3A_69, %dot_general3A_103 {dimension_numbers = #tpu.dot_dimension_numbers<[1], [0], [0], [1], [0, 0, 1, 1], [], []>, transpose_lhs_hint = false} : vector<40x6xf32>, vector<6x40xf32>, vector<40x40xf32> -> vector<40x40xf32>
    %get3A_105 = arith.constant 0 : index
    %get3A_106 = arith.constant 0 : index
    %get3A_107 = vector.load %arg5[%get3A_105, %get3A_106] : memref<6x6xf32, #tpu.memory_space<vmem>>, vector<6x6xf32>
    %dot_general3A_108 = arith.constant dense<0.000000e+00> : vector<40x6xf32>
    %dot_general3A_109 = tpu.matmul %convert_element_type3A_33, %get3A_107, %dot_general3A_108 {dimension_numbers = #tpu.dot_dimension_numbers<[1], [0], [0], [1], [0, 0, 1, 1], [], []>, transpose_lhs_hint = false} : vector<40x6xf32>, vector<6x6xf32>, vector<40x6xf32> -> vector<40x6xf32>
    %dot_general3A_110 = arith.constant dense<0.000000e+00> : vector<40x40xf32>
    %dot_general3A_111 = tpu.matmul %dot_general3A_109, %convert_element_type3A_69, %dot_general3A_110 {dimension_numbers = #tpu.dot_dimension_numbers<[1], [0], [0], [1], [0, 0, 1, 1], [], []>, transpose_lhs_hint = false} : vector<40x6xf32>, vector<6x40xf32>, vector<40x40xf32> -> vector<40x40xf32>
    %iota3A_112 = tpu.iota {dimensions = array<i32: 0>} : vector<40x40xi32>
    %iota3A_113 = tpu.iota {dimensions = array<i32: 1>} : vector<40x40xi32>
    %eq3A_114 = arith.cmpi eq, %iota3A_112, %iota3A_113 : vector<40x40xi32>
    %convert_element_type3A_115 = arith.extui %eq3A_114 : vector<40x40xi1> to vector<40x40xi32>
    %convert_element_type3A_116 = arith.sitofp %convert_element_type3A_115 : vector<40x40xi32> to vector<40x40xf32>
    %mul3A = arith.mulf %dot_general3A_104, %convert_element_type3A_116 : vector<40x40xf32>
    %reduce_sum3A_117 = arith.constant dense<0.000000e+00> : vector<40xf32>
    %reduce_sum3A_118 = vector.multi_reduction <add>, %mul3A, %reduce_sum3A_117 [1] : vector<40x40xf32> to vector<40xf32>
    %broadcast_in_dim3A_119 = vector.shape_cast %reduce_sum3A_118 : vector<40xf32> to vector<40x1xf32>
    %mul3A_120 = arith.mulf %dot_general3A_111, %convert_element_type3A_116 : vector<40x40xf32>
    %reduce_sum3A_121 = arith.constant dense<0.000000e+00> : vector<40xf32>
    %reduce_sum3A_122 = vector.multi_reduction <add>, %mul3A_120, %reduce_sum3A_121 [1] : vector<40x40xf32> to vector<40xf32>
    %broadcast_in_dim3A_123 = vector.shape_cast %reduce_sum3A_122 : vector<40xf32> to vector<40x1xf32>
    %dot_general3A_124 = arith.constant dense<0.000000e+00> : vector<40x2048xf32>
    %dot_general3A_125 = tpu.matmul %convert_element_type3A_33, %reduce_sum3A_86, %dot_general3A_124 {dimension_numbers = #tpu.dot_dimension_numbers<[1], [0], [0], [1], [0, 0, 1, 1], [], []>, transpose_lhs_hint = false} : vector<40x6xf32>, vector<6x2048xf32>, vector<40x2048xf32> -> vector<40x2048xf32>
    %mul3A_126 = vector.broadcast %broadcast_in_dim3A_119 : vector<40x1xf32> to vector<40x2048xf32>
    %mul3A_127 = arith.mulf %dot_general3A_125, %mul3A_126 : vector<40x2048xf32>
    %add3A_128 = vector.broadcast %broadcast_in_dim3A_123 : vector<40x1xf32> to vector<40x2048xf32>
    %add3A_129 = arith.addf %mul3A_127, %add3A_128 : vector<40x2048xf32>
    %dot_general3A_130 = arith.constant dense<0.000000e+00> : vector<40x2048xf32>
    %dot_general3A_131 = tpu.matmul %convert_element_type3A_77, %reduce_sum3A_98, %dot_general3A_130 {dimension_numbers = #tpu.dot_dimension_numbers<[1], [0], [0], [1], [0, 0, 1, 1], [], []>, transpose_lhs_hint = false} : vector<40x3xf32>, vector<3x2048xf32>, vector<40x2048xf32> -> vector<40x2048xf32>
    %add3A_132 = arith.addf %add3A_129, %dot_general3A_131 : vector<40x2048xf32>
    %iota3A_133 = tpu.iota {dimensions = array<i32: 0>} : vector<40x1xi32>
    %ge3A_134 = arith.constant 1 : i32
    %ge3A_135 = vector.broadcast %ge3A_134 : i32 to vector<40x1xi32>
    %ge3A_136 = arith.cmpi sge, %iota3A_133, %ge3A_135 : vector<40x1xi32>
    %le3A_137 = arith.constant 36 : i32
    %le3A_138 = vector.broadcast %le3A_137 : i32 to vector<40x1xi32>
    %le3A_139 = arith.cmpi sle, %iota3A_133, %le3A_138 : vector<40x1xi32>
    %and3A_140 = arith.andi %ge3A_136, %le3A_139 : vector<40x1xi1>
    %sub3A_141 = arith.constant 1 : i32
    %sub3A_142 = vector.broadcast %sub3A_141 : i32 to vector<40x1xi32>
    %sub3A_143 = arith.subi %iota3A_133, %sub3A_142 : vector<40x1xi32>
    %jit3A_144 = arith.constant 6 : i32
    %eq3A_145 = arith.constant 0 : i32
    %eq3A_146 = arith.cmpi eq, %jit3A_144, %eq3A_145 : i32
    %jit3A_147 = arith.constant 1 : i32
    %select_n3A_148 = arith.select %eq3A_146, %jit3A_147, %jit3A_144 : i32
    %rem3A_149 = vector.broadcast %select_n3A_148 : i32 to vector<40x1xi32>
    %rem3A_150 = arith.remsi %sub3A_143, %rem3A_149 : vector<40x1xi32>
    %ne3A_151 = arith.constant 0 : i32
    %ne3A_152 = vector.broadcast %ne3A_151 : i32 to vector<40x1xi32>
    %ne3A_153 = arith.cmpi ne, %rem3A_150, %ne3A_152 : vector<40x1xi32>
    %lt3A_154 = arith.constant 0 : i32
    %lt3A_155 = vector.broadcast %lt3A_154 : i32 to vector<40x1xi32>
    %lt3A_156 = arith.cmpi slt, %rem3A_150, %lt3A_155 : vector<40x1xi32>
    %lt3A_157 = arith.constant 0 : i32
    %lt3A_158 = arith.cmpi slt, %select_n3A_148, %lt3A_157 : i32
    %ne3A_159 = vector.broadcast %lt3A_158 : i1 to vector<40x1xi1>
    %ne3A_160 = vector.broadcast %ne3A_159 : vector<40x1xi1> to vector<40x1xi1>
    %ne3A_161 = arith.xori %lt3A_156, %ne3A_160 : vector<40x1xi1>
    %and3A_162 = arith.andi %ne3A_161, %ne3A_153 : vector<40x1xi1>
    %add3A_163 = vector.broadcast %select_n3A_148 : i32 to vector<40x1xi32>
    %add3A_164 = arith.addi %rem3A_150, %add3A_163 : vector<40x1xi32>
    %select_n3A_165 = arith.select %and3A_162, %add3A_164, %rem3A_150 : vector<40x1xi1>, vector<40x1xi32>
    %ne3A_166 = arith.constant 0 : i32
    %ne3A_167 = vector.broadcast %ne3A_166 : i32 to vector<40x1xi32>
    %ne3A_168 = arith.cmpi ne, %select_n3A_165, %ne3A_167 : vector<40x1xi32>
    %and3A_169 = arith.andi %and3A_140, %ne3A_168 : vector<40x1xi1>
    %get3A_170 = arith.constant 0 : index
    %get3A_171 = arith.constant 0 : index
    %get3A_172 = vector.load %arg6[%get3A_170, %get3A_171] : memref<40x2048xf32, #tpu.memory_space<vmem>>, vector<40x2048xf32>
    %mul3A_173 = arith.constant 0.159154937 : f32
    %mul3A_174 = vector.broadcast %mul3A_173 : f32 to vector<40x2048xf32>
    %mul3A_175 = arith.mulf %add3A_132, %mul3A_174 : vector<40x2048xf32>
    %round3A = math.roundeven %mul3A_175 : vector<40x2048xf32>
    %sub3A_176 = arith.subf %mul3A_175, %round3A : vector<40x2048xf32>
    %mul3A_177 = arith.constant 6.28318548 : f32
    %mul3A_178 = vector.broadcast %mul3A_177 : f32 to vector<40x2048xf32>
    %mul3A_179 = arith.mulf %sub3A_176, %mul3A_178 : vector<40x2048xf32>
    %mul3A_180 = arith.mulf %mul3A_179, %mul3A_179 : vector<40x2048xf32>
    %mul3A_181 = arith.constant -2.0533875E-8 : f32
    %mul3A_182 = vector.broadcast %mul3A_181 : f32 to vector<40x2048xf32>
    %mul3A_183 = arith.mulf %mul3A_182, %mul3A_180 : vector<40x2048xf32>
    %add3A_184 = arith.constant 2.70404257E-6 : f32
    %add3A_185 = vector.broadcast %add3A_184 : f32 to vector<40x2048xf32>
    %add3A_186 = arith.addf %mul3A_183, %add3A_185 : vector<40x2048xf32>
    %mul3A_187 = arith.mulf %add3A_186, %mul3A_180 : vector<40x2048xf32>
    %add3A_188 = arith.constant -1.98125679E-4 : f32
    %add3A_189 = vector.broadcast %add3A_188 : f32 to vector<40x2048xf32>
    %add3A_190 = arith.addf %mul3A_187, %add3A_189 : vector<40x2048xf32>
    %mul3A_191 = arith.mulf %add3A_190, %mul3A_180 : vector<40x2048xf32>
    %add3A_192 = arith.constant 0.00833255798 : f32
    %add3A_193 = vector.broadcast %add3A_192 : f32 to vector<40x2048xf32>
    %add3A_194 = arith.addf %mul3A_191, %add3A_193 : vector<40x2048xf32>
    %mul3A_195 = arith.mulf %add3A_194, %mul3A_180 : vector<40x2048xf32>
    %add3A_196 = arith.constant -0.166665778 : f32
    %add3A_197 = vector.broadcast %add3A_196 : f32 to vector<40x2048xf32>
    %add3A_198 = arith.addf %mul3A_195, %add3A_197 : vector<40x2048xf32>
    %mul3A_199 = arith.mulf %add3A_198, %mul3A_180 : vector<40x2048xf32>
    %add3A_200 = arith.constant 0.999999701 : f32
    %add3A_201 = vector.broadcast %add3A_200 : f32 to vector<40x2048xf32>
    %add3A_202 = arith.addf %mul3A_199, %add3A_201 : vector<40x2048xf32>
    %mul3A_203 = arith.mulf %mul3A_179, %add3A_202 : vector<40x2048xf32>
    %broadcast_in_dim3A_204 = vector.shape_cast %and3A_169 : vector<40x1xi1> to vector<40x1xi1>
    %broadcast_in_dim3A_205 = vector.broadcast %broadcast_in_dim3A_204 : vector<40x1xi1> to vector<40x2048xi1>
    %select_n3A_206 = arith.select %broadcast_in_dim3A_205, %mul3A_203, %add3A_132 : vector<40x2048xi1>, vector<40x2048xf32>
    %add3A_207 = arith.addf %get3A_172, %select_n3A_206 : vector<40x2048xf32>
    %swap3A = arith.constant 0 : index
    %swap3A_208 = arith.constant 0 : index
    %swap3A_209 = vector.load %arg9[%swap3A, %swap3A_208] : memref<40x2048xf32, #tpu.memory_space<vmem>>, vector<40x2048xf32>
    tpu.vector_store %arg9[%swap3A, %swap3A_208], %add3A_207 {strides = array<i32>} : memref<40x2048xf32, #tpu.memory_space<vmem>>, vector<40x2048xf32>,
    %get3A_210 = arith.constant 0 : index
    %get3A_211 = arith.constant 0 : index
    %get3A_212 = vector.load %arg9[%get3A_210, %get3A_211] : memref<40x2048xf32, #tpu.memory_space<vmem>>, vector<1x2048xf32>
    %get3A_213 = arith.constant 0 : index
    %get3A_214 = arith.constant 0 : index
    %get3A_215 = arith.constant 0 : index
    %get3A_216 = vector.load %arg1[%get3A_213, %get3A_214, %get3A_215] : memref<1x16x2048xf32, #tpu.memory_space<vmem>>, vector<1x16x2048xf32>
    %get3A_217 = vector.shape_cast %get3A_216 : vector<1x16x2048xf32> to vector<16x2048xf32>
    %get3A_218 = arith.constant 0 : index
    %get3A_219 = arith.constant 0 : index
    %get3A_220 = vector.load %arg9[%get3A_218, %get3A_219] : memref<40x2048xf32, #tpu.memory_space<vmem>>, vector<40x2048xf32>
    %swap3A_221 = arith.constant 0 : index
    %swap3A_222 = arith.constant 0 : index
    %swap3A_223 = arith.constant 0 : index
    %swap3A_224 = vector.load %arg8[%swap3A_221, %swap3A_222, %swap3A_223] : memref<1x40x32768xf32, #tpu.memory_space<vmem>>, vector<1x40x2048xf32>
    %swap3A_225 = vector.shape_cast %swap3A_224 : vector<1x40x2048xf32> to vector<40x2048xf32>
    %swap3A_226 = vector.shape_cast %get3A_220 : vector<40x2048xf32> to vector<1x40x2048xf32>
    tpu.vector_store %arg8[%swap3A_221, %swap3A_222, %swap3A_223], %swap3A_226 {strides = array<i32>} : memref<1x40x32768xf32, #tpu.memory_space<vmem>>, vector<1x40x2048xf32>,
    %slice3A = vector.extract_strided_slice %get3A_217 {offsets = [0, 0], sizes = [1, 2048], strides = [1, 1]} : vector<16x2048xf32> to vector<1x2048xf32>
    %add3A_227 = arith.addf %get3A_212, %slice3A : vector<1x2048xf32>
    %get3A_228 = arith.constant 0 : index
    %get3A_229 = arith.constant 0 : index
    %get3A_230 = vector.load %arg7[%get3A_228, %get3A_229] : memref<1x16xf32, #tpu.memory_space<vmem>>, vector<1x1xf32>
    %add3A_231 = vector.broadcast %get3A_230 : vector<1x1xf32> to vector<1x2048xf32>
    %add3A_232 = arith.addf %add3A_227, %add3A_231 : vector<1x2048xf32>
    %swap3A_233 = arith.constant 0 : index
    %swap3A_234 = arith.constant 0 : index
    %swap3A_235 = arith.constant 0 : index
    %swap3A_236 = vector.load %arg8[%swap3A_233, %swap3A_234, %swap3A_235] : memref<1x40x32768xf32, #tpu.memory_space<vmem>>, vector<1x1x2048xf32>
    %swap3A_237 = vector.shape_cast %swap3A_236 : vector<1x1x2048xf32> to vector<1x2048xf32>
    %swap3A_238 = vector.shape_cast %add3A_232 : vector<1x2048xf32> to vector<1x1x2048xf32>
    tpu.vector_store %arg8[%swap3A_233, %swap3A_234, %swap3A_235], %swap3A_238 {strides = array<i32>} : memref<1x40x32768xf32, #tpu.memory_space<vmem>>, vector<1x1x2048xf32>,
    %get3A_239 = arith.constant 0 : index
    %get3A_240 = arith.constant 0 : index
    %get3A_241 = vector.load %arg9[%get3A_239, %get3A_240] : memref<40x2048xf32, #tpu.memory_space<vmem>>, vector<40x2048xf32>
    %swap3A_242 = arith.constant 0 : index
    %swap3A_243 = arith.constant 0 : index
    %swap3A_244 = arith.constant 2048 : index
    %swap3A_245 = vector.load %arg8[%swap3A_242, %swap3A_243, %swap3A_244] : memref<1x40x32768xf32, #tpu.memory_space<vmem>>, vector<1x40x2048xf32>
    %swap3A_246 = vector.shape_cast %swap3A_245 : vector<1x40x2048xf32> to vector<40x2048xf32>
    %swap3A_247 = vector.shape_cast %get3A_241 : vector<40x2048xf32> to vector<1x40x2048xf32>
    tpu.vector_store %arg8[%swap3A_242, %swap3A_243, %swap3A_244], %swap3A_247 {strides = array<i32>} : memref<1x40x32768xf32, #tpu.memory_space<vmem>>, vector<1x40x2048xf32>,
    %slice3A_248 = vector.extract_strided_slice %get3A_217 {offsets = [1, 0], sizes = [1, 2048], strides = [1, 1]} : vector<16x2048xf32> to vector<1x2048xf32>
    %add3A_249 = arith.addf %get3A_212, %slice3A_248 : vector<1x2048xf32>
    %get3A_250 = arith.constant 0 : index
    %get3A_251 = arith.constant 1 : index
    %get3A_252 = vector.load %arg7[%get3A_250, %get3A_251] : memref<1x16xf32, #tpu.memory_space<vmem>>, vector<1x1xf32>
    %add3A_253 = vector.broadcast %get3A_252 : vector<1x1xf32> to vector<1x2048xf32>
    %add3A_254 = arith.addf %add3A_249, %add3A_253 : vector<1x2048xf32>
    %swap3A_255 = arith.constant 0 : index
    %swap3A_256 = arith.constant 0 : index
    %swap3A_257 = arith.constant 2048 : index
    %swap3A_258 = vector.load %arg8[%swap3A_255, %swap3A_256, %swap3A_257] : memref<1x40x32768xf32, #tpu.memory_space<vmem>>, vector<1x1x2048xf32>
    %swap3A_259 = vector.shape_cast %swap3A_258 : vector<1x1x2048xf32> to vector<1x2048xf32>
    %swap3A_260 = vector.shape_cast %add3A_254 : vector<1x2048xf32> to vector<1x1x2048xf32>
    tpu.vector_store %arg8[%swap3A_255, %swap3A_256, %swap3A_257], %swap3A_260 {strides = array<i32>} : memref<1x40x32768xf32, #tpu.memory_space<vmem>>, vector<1x1x2048xf32>,
    %get3A_261 = arith.constant 0 : index
    %get3A_262 = arith.constant 0 : index
    %get3A_263 = vector.load %arg9[%get3A_261, %get3A_262] : memref<40x2048xf32, #tpu.memory_space<vmem>>, vector<40x2048xf32>
    %swap3A_264 = arith.constant 0 : index
    %swap3A_265 = arith.constant 0 : index
    %swap3A_266 = arith.constant 4096 : index
    %swap3A_267 = vector.load %arg8[%swap3A_264, %swap3A_265, %swap3A_266] : memref<1x40x32768xf32, #tpu.memory_space<vmem>>, vector<1x40x2048xf32>
    %swap3A_268 = vector.shape_cast %swap3A_267 : vector<1x40x2048xf32> to vector<40x2048xf32>
    %swap3A_269 = vector.shape_cast %get3A_263 : vector<40x2048xf32> to vector<1x40x2048xf32>
    tpu.vector_store %arg8[%swap3A_264, %swap3A_265, %swap3A_266], %swap3A_269 {strides = array<i32>} : memref<1x40x32768xf32, #tpu.memory_space<vmem>>, vector<1x40x2048xf32>,
    %slice3A_270 = vector.extract_strided_slice %get3A_217 {offsets = [2, 0], sizes = [1, 2048], strides = [1, 1]} : vector<16x2048xf32> to vector<1x2048xf32>
    %add3A_271 = arith.addf %get3A_212, %slice3A_270 : vector<1x2048xf32>
    %get3A_272 = arith.constant 0 : index
    %get3A_273 = arith.constant 2 : index
    %get3A_274 = vector.load %arg7[%get3A_272, %get3A_273] : memref<1x16xf32, #tpu.memory_space<vmem>>, vector<1x1xf32>
    %add3A_275 = vector.broadcast %get3A_274 : vector<1x1xf32> to vector<1x2048xf32>
    %add3A_276 = arith.addf %add3A_271, %add3A_275 : vector<1x2048xf32>
    %swap3A_277 = arith.constant 0 : index
    %swap3A_278 = arith.constant 0 : index
    %swap3A_279 = arith.constant 4096 : index
    %swap3A_280 = vector.load %arg8[%swap3A_277, %swap3A_278, %swap3A_279] : memref<1x40x32768xf32, #tpu.memory_space<vmem>>, vector<1x1x2048xf32>
    %swap3A_281 = vector.shape_cast %swap3A_280 : vector<1x1x2048xf32> to vector<1x2048xf32>
    %swap3A_282 = vector.shape_cast %add3A_276 : vector<1x2048xf32> to vector<1x1x2048xf32>
    tpu.vector_store %arg8[%swap3A_277, %swap3A_278, %swap3A_279], %swap3A_282 {strides = array<i32>} : memref<1x40x32768xf32, #tpu.memory_space<vmem>>, vector<1x1x2048xf32>,
    %get3A_283 = arith.constant 0 : index
    %get3A_284 = arith.constant 0 : index
    %get3A_285 = vector.load %arg9[%get3A_283, %get3A_284] : memref<40x2048xf32, #tpu.memory_space<vmem>>, vector<40x2048xf32>
    %swap3A_286 = arith.constant 0 : index
    %swap3A_287 = arith.constant 0 : index
    %swap3A_288 = arith.constant 6144 : index
    %swap3A_289 = vector.load %arg8[%swap3A_286, %swap3A_287, %swap3A_288] : memref<1x40x32768xf32, #tpu.memory_space<vmem>>, vector<1x40x2048xf32>
    %swap3A_290 = vector.shape_cast %swap3A_289 : vector<1x40x2048xf32> to vector<40x2048xf32>
    %swap3A_291 = vector.shape_cast %get3A_285 : vector<40x2048xf32> to vector<1x40x2048xf32>
    tpu.vector_store %arg8[%swap3A_286, %swap3A_287, %swap3A_288], %swap3A_291 {strides = array<i32>} : memref<1x40x32768xf32, #tpu.memory_space<vmem>>, vector<1x40x2048xf32>,
    %slice3A_292 = vector.extract_strided_slice %get3A_217 {offsets = [3, 0], sizes = [1, 2048], strides = [1, 1]} : vector<16x2048xf32> to vector<1x2048xf32>
    %add3A_293 = arith.addf %get3A_212, %slice3A_292 : vector<1x2048xf32>
    %get3A_294 = arith.constant 0 : index
    %get3A_295 = arith.constant 3 : index
    %get3A_296 = vector.load %arg7[%get3A_294, %get3A_295] : memref<1x16xf32, #tpu.memory_space<vmem>>, vector<1x1xf32>
    %add3A_297 = vector.broadcast %get3A_296 : vector<1x1xf32> to vector<1x2048xf32>
    %add3A_298 = arith.addf %add3A_293, %add3A_297 : vector<1x2048xf32>
    %swap3A_299 = arith.constant 0 : index
    %swap3A_300 = arith.constant 0 : index
    %swap3A_301 = arith.constant 6144 : index
    %swap3A_302 = vector.load %arg8[%swap3A_299, %swap3A_300, %swap3A_301] : memref<1x40x32768xf32, #tpu.memory_space<vmem>>, vector<1x1x2048xf32>
    %swap3A_303 = vector.shape_cast %swap3A_302 : vector<1x1x2048xf32> to vector<1x2048xf32>
    %swap3A_304 = vector.shape_cast %add3A_298 : vector<1x2048xf32> to vector<1x1x2048xf32>
    tpu.vector_store %arg8[%swap3A_299, %swap3A_300, %swap3A_301], %swap3A_304 {strides = array<i32>} : memref<1x40x32768xf32, #tpu.memory_space<vmem>>, vector<1x1x2048xf32>,
    %get3A_305 = arith.constant 0 : index
    %get3A_306 = arith.constant 0 : index
    %get3A_307 = vector.load %arg9[%get3A_305, %get3A_306] : memref<40x2048xf32, #tpu.memory_space<vmem>>, vector<40x2048xf32>
    %swap3A_308 = arith.constant 0 : index
    %swap3A_309 = arith.constant 0 : index
    %swap3A_310 = arith.constant 8192 : index
    %swap3A_311 = vector.load %arg8[%swap3A_308, %swap3A_309, %swap3A_310] : memref<1x40x32768xf32, #tpu.memory_space<vmem>>, vector<1x40x2048xf32>
    %swap3A_312 = vector.shape_cast %swap3A_311 : vector<1x40x2048xf32> to vector<40x2048xf32>
    %swap3A_313 = vector.shape_cast %get3A_307 : vector<40x2048xf32> to vector<1x40x2048xf32>
    tpu.vector_store %arg8[%swap3A_308, %swap3A_309, %swap3A_310], %swap3A_313 {strides = array<i32>} : memref<1x40x32768xf32, #tpu.memory_space<vmem>>, vector<1x40x2048xf32>,
    %slice3A_314 = vector.extract_strided_slice %get3A_217 {offsets = [4, 0], sizes = [1, 2048], strides = [1, 1]} : vector<16x2048xf32> to vector<1x2048xf32>
    %add3A_315 = arith.addf %get3A_212, %slice3A_314 : vector<1x2048xf32>
    %get3A_316 = arith.constant 0 : index
    %get3A_317 = arith.constant 4 : index
    %get3A_318 = vector.load %arg7[%get3A_316, %get3A_317] : memref<1x16xf32, #tpu.memory_space<vmem>>, vector<1x1xf32>
    %add3A_319 = vector.broadcast %get3A_318 : vector<1x1xf32> to vector<1x2048xf32>
    %add3A_320 = arith.addf %add3A_315, %add3A_319 : vector<1x2048xf32>
    %swap3A_321 = arith.constant 0 : index
    %swap3A_322 = arith.constant 0 : index
    %swap3A_323 = arith.constant 8192 : index
    %swap3A_324 = vector.load %arg8[%swap3A_321, %swap3A_322, %swap3A_323] : memref<1x40x32768xf32, #tpu.memory_space<vmem>>, vector<1x1x2048xf32>
    %swap3A_325 = vector.shape_cast %swap3A_324 : vector<1x1x2048xf32> to vector<1x2048xf32>
    %swap3A_326 = vector.shape_cast %add3A_320 : vector<1x2048xf32> to vector<1x1x2048xf32>
    tpu.vector_store %arg8[%swap3A_321, %swap3A_322, %swap3A_323], %swap3A_326 {strides = array<i32>} : memref<1x40x32768xf32, #tpu.memory_space<vmem>>, vector<1x1x2048xf32>,
    %get3A_327 = arith.constant 0 : index
    %get3A_328 = arith.constant 0 : index
    %get3A_329 = vector.load %arg9[%get3A_327, %get3A_328] : memref<40x2048xf32, #tpu.memory_space<vmem>>, vector<40x2048xf32>
    %swap3A_330 = arith.constant 0 : index
    %swap3A_331 = arith.constant 0 : index
    %swap3A_332 = arith.constant 10240 : index
    %swap3A_333 = vector.load %arg8[%swap3A_330, %swap3A_331, %swap3A_332] : memref<1x40x32768xf32, #tpu.memory_space<vmem>>, vector<1x40x2048xf32>
    %swap3A_334 = vector.shape_cast %swap3A_333 : vector<1x40x2048xf32> to vector<40x2048xf32>
    %swap3A_335 = vector.shape_cast %get3A_329 : vector<40x2048xf32> to vector<1x40x2048xf32>
    tpu.vector_store %arg8[%swap3A_330, %swap3A_331, %swap3A_332], %swap3A_335 {strides = array<i32>} : memref<1x40x32768xf32, #tpu.memory_space<vmem>>, vector<1x40x2048xf32>,
    %slice3A_336 = vector.extract_strided_slice %get3A_217 {offsets = [5, 0], sizes = [1, 2048], strides = [1, 1]} : vector<16x2048xf32> to vector<1x2048xf32>
    %add3A_337 = arith.addf %get3A_212, %slice3A_336 : vector<1x2048xf32>
    %get3A_338 = arith.constant 0 : index
    %get3A_339 = arith.constant 5 : index
    %get3A_340 = vector.load %arg7[%get3A_338, %get3A_339] : memref<1x16xf32, #tpu.memory_space<vmem>>, vector<1x1xf32>
    %add3A_341 = vector.broadcast %get3A_340 : vector<1x1xf32> to vector<1x2048xf32>
    %add3A_342 = arith.addf %add3A_337, %add3A_341 : vector<1x2048xf32>
    %swap3A_343 = arith.constant 0 : index
    %swap3A_344 = arith.constant 0 : index
    %swap3A_345 = arith.constant 10240 : index
    %swap3A_346 = vector.load %arg8[%swap3A_343, %swap3A_344, %swap3A_345] : memref<1x40x32768xf32, #tpu.memory_space<vmem>>, vector<1x1x2048xf32>
    %swap3A_347 = vector.shape_cast %swap3A_346 : vector<1x1x2048xf32> to vector<1x2048xf32>
    %swap3A_348 = vector.shape_cast %add3A_342 : vector<1x2048xf32> to vector<1x1x2048xf32>
    tpu.vector_store %arg8[%swap3A_343, %swap3A_344, %swap3A_345], %swap3A_348 {strides = array<i32>} : memref<1x40x32768xf32, #tpu.memory_space<vmem>>, vector<1x1x2048xf32>,
    %get3A_349 = arith.constant 0 : index
    %get3A_350 = arith.constant 0 : index
    %get3A_351 = vector.load %arg9[%get3A_349, %get3A_350] : memref<40x2048xf32, #tpu.memory_space<vmem>>, vector<40x2048xf32>
    %swap3A_352 = arith.constant 0 : index
    %swap3A_353 = arith.constant 0 : index
    %swap3A_354 = arith.constant 12288 : index
    %swap3A_355 = vector.load %arg8[%swap3A_352, %swap3A_353, %swap3A_354] : memref<1x40x32768xf32, #tpu.memory_space<vmem>>, vector<1x40x2048xf32>
    %swap3A_356 = vector.shape_cast %swap3A_355 : vector<1x40x2048xf32> to vector<40x2048xf32>
    %swap3A_357 = vector.shape_cast %get3A_351 : vector<40x2048xf32> to vector<1x40x2048xf32>
    tpu.vector_store %arg8[%swap3A_352, %swap3A_353, %swap3A_354], %swap3A_357 {strides = array<i32>} : memref<1x40x32768xf32, #tpu.memory_space<vmem>>, vector<1x40x2048xf32>,
    %slice3A_358 = vector.extract_strided_slice %get3A_217 {offsets = [6, 0], sizes = [1, 2048], strides = [1, 1]} : vector<16x2048xf32> to vector<1x2048xf32>
    %add3A_359 = arith.addf %get3A_212, %slice3A_358 : vector<1x2048xf32>
    %get3A_360 = arith.constant 0 : index
    %get3A_361 = arith.constant 6 : index
    %get3A_362 = vector.load %arg7[%get3A_360, %get3A_361] : memref<1x16xf32, #tpu.memory_space<vmem>>, vector<1x1xf32>
    %add3A_363 = vector.broadcast %get3A_362 : vector<1x1xf32> to vector<1x2048xf32>
    %add3A_364 = arith.addf %add3A_359, %add3A_363 : vector<1x2048xf32>
    %swap3A_365 = arith.constant 0 : index
    %swap3A_366 = arith.constant 0 : index
    %swap3A_367 = arith.constant 12288 : index
    %swap3A_368 = vector.load %arg8[%swap3A_365, %swap3A_366, %swap3A_367] : memref<1x40x32768xf32, #tpu.memory_space<vmem>>, vector<1x1x2048xf32>
    %swap3A_369 = vector.shape_cast %swap3A_368 : vector<1x1x2048xf32> to vector<1x2048xf32>
    %swap3A_370 = vector.shape_cast %add3A_364 : vector<1x2048xf32> to vector<1x1x2048xf32>
    tpu.vector_store %arg8[%swap3A_365, %swap3A_366, %swap3A_367], %swap3A_370 {strides = array<i32>} : memref<1x40x32768xf32, #tpu.memory_space<vmem>>, vector<1x1x2048xf32>,
    %get3A_371 = arith.constant 0 : index
    %get3A_372 = arith.constant 0 : index
    %get3A_373 = vector.load %arg9[%get3A_371, %get3A_372] : memref<40x2048xf32, #tpu.memory_space<vmem>>, vector<40x2048xf32>
    %swap3A_374 = arith.constant 0 : index
    %swap3A_375 = arith.constant 0 : index
    %swap3A_376 = arith.constant 14336 : index
    %swap3A_377 = vector.load %arg8[%swap3A_374, %swap3A_375, %swap3A_376] : memref<1x40x32768xf32, #tpu.memory_space<vmem>>, vector<1x40x2048xf32>
    %swap3A_378 = vector.shape_cast %swap3A_377 : vector<1x40x2048xf32> to vector<40x2048xf32>
    %swap3A_379 = vector.shape_cast %get3A_373 : vector<40x2048xf32> to vector<1x40x2048xf32>
    tpu.vector_store %arg8[%swap3A_374, %swap3A_375, %swap3A_376], %swap3A_379 {strides = array<i32>} : memref<1x40x32768xf32, #tpu.memory_space<vmem>>, vector<1x40x2048xf32>,
    %slice3A_380 = vector.extract_strided_slice %get3A_217 {offsets = [7, 0], sizes = [1, 2048], strides = [1, 1]} : vector<16x2048xf32> to vector<1x2048xf32>
    %add3A_381 = arith.addf %get3A_212, %slice3A_380 : vector<1x2048xf32>
    %get3A_382 = arith.constant 0 : index
    %get3A_383 = arith.constant 7 : index
    %get3A_384 = vector.load %arg7[%get3A_382, %get3A_383] : memref<1x16xf32, #tpu.memory_space<vmem>>, vector<1x1xf32>
    %add3A_385 = vector.broadcast %get3A_384 : vector<1x1xf32> to vector<1x2048xf32>
    %add3A_386 = arith.addf %add3A_381, %add3A_385 : vector<1x2048xf32>
    %swap3A_387 = arith.constant 0 : index
    %swap3A_388 = arith.constant 0 : index
    %swap3A_389 = arith.constant 14336 : index
    %swap3A_390 = vector.load %arg8[%swap3A_387, %swap3A_388, %swap3A_389] : memref<1x40x32768xf32, #tpu.memory_space<vmem>>, vector<1x1x2048xf32>
    %swap3A_391 = vector.shape_cast %swap3A_390 : vector<1x1x2048xf32> to vector<1x2048xf32>
    %swap3A_392 = vector.shape_cast %add3A_386 : vector<1x2048xf32> to vector<1x1x2048xf32>
    tpu.vector_store %arg8[%swap3A_387, %swap3A_388, %swap3A_389], %swap3A_392 {strides = array<i32>} : memref<1x40x32768xf32, #tpu.memory_space<vmem>>, vector<1x1x2048xf32>,
    %get3A_393 = arith.constant 0 : index
    %get3A_394 = arith.constant 0 : index
    %get3A_395 = vector.load %arg9[%get3A_393, %get3A_394] : memref<40x2048xf32, #tpu.memory_space<vmem>>, vector<40x2048xf32>
    %swap3A_396 = arith.constant 0 : index
    %swap3A_397 = arith.constant 0 : index
    %swap3A_398 = arith.constant 16384 : index
    %swap3A_399 = vector.load %arg8[%swap3A_396, %swap3A_397, %swap3A_398] : memref<1x40x32768xf32, #tpu.memory_space<vmem>>, vector<1x40x2048xf32>
    %swap3A_400 = vector.shape_cast %swap3A_399 : vector<1x40x2048xf32> to vector<40x2048xf32>
    %swap3A_401 = vector.shape_cast %get3A_395 : vector<40x2048xf32> to vector<1x40x2048xf32>
    tpu.vector_store %arg8[%swap3A_396, %swap3A_397, %swap3A_398], %swap3A_401 {strides = array<i32>} : memref<1x40x32768xf32, #tpu.memory_space<vmem>>, vector<1x40x2048xf32>,
    %slice3A_402 = vector.extract_strided_slice %get3A_217 {offsets = [8, 0], sizes = [1, 2048], strides = [1, 1]} : vector<16x2048xf32> to vector<1x2048xf32>
    %add3A_403 = arith.addf %get3A_212, %slice3A_402 : vector<1x2048xf32>
    %get3A_404 = arith.constant 0 : index
    %get3A_405 = arith.constant 8 : index
    %get3A_406 = vector.load %arg7[%get3A_404, %get3A_405] : memref<1x16xf32, #tpu.memory_space<vmem>>, vector<1x1xf32>
    %add3A_407 = vector.broadcast %get3A_406 : vector<1x1xf32> to vector<1x2048xf32>
    %add3A_408 = arith.addf %add3A_403, %add3A_407 : vector<1x2048xf32>
    %swap3A_409 = arith.constant 0 : index
    %swap3A_410 = arith.constant 0 : index
    %swap3A_411 = arith.constant 16384 : index
    %swap3A_412 = vector.load %arg8[%swap3A_409, %swap3A_410, %swap3A_411] : memref<1x40x32768xf32, #tpu.memory_space<vmem>>, vector<1x1x2048xf32>
    %swap3A_413 = vector.shape_cast %swap3A_412 : vector<1x1x2048xf32> to vector<1x2048xf32>
    %swap3A_414 = vector.shape_cast %add3A_408 : vector<1x2048xf32> to vector<1x1x2048xf32>
    tpu.vector_store %arg8[%swap3A_409, %swap3A_410, %swap3A_411], %swap3A_414 {strides = array<i32>} : memref<1x40x32768xf32, #tpu.memory_space<vmem>>, vector<1x1x2048xf32>,
    %get3A_415 = arith.constant 0 : index
    %get3A_416 = arith.constant 0 : index
    %get3A_417 = vector.load %arg9[%get3A_415, %get3A_416] : memref<40x2048xf32, #tpu.memory_space<vmem>>, vector<40x2048xf32>
    %swap3A_418 = arith.constant 0 : index
    %swap3A_419 = arith.constant 0 : index
    %swap3A_420 = arith.constant 18432 : index
    %swap3A_421 = vector.load %arg8[%swap3A_418, %swap3A_419, %swap3A_420] : memref<1x40x32768xf32, #tpu.memory_space<vmem>>, vector<1x40x2048xf32>
    %swap3A_422 = vector.shape_cast %swap3A_421 : vector<1x40x2048xf32> to vector<40x2048xf32>
    %swap3A_423 = vector.shape_cast %get3A_417 : vector<40x2048xf32> to vector<1x40x2048xf32>
    tpu.vector_store %arg8[%swap3A_418, %swap3A_419, %swap3A_420], %swap3A_423 {strides = array<i32>} : memref<1x40x32768xf32, #tpu.memory_space<vmem>>, vector<1x40x2048xf32>,
    %slice3A_424 = vector.extract_strided_slice %get3A_217 {offsets = [9, 0], sizes = [1, 2048], strides = [1, 1]} : vector<16x2048xf32> to vector<1x2048xf32>
    %add3A_425 = arith.addf %get3A_212, %slice3A_424 : vector<1x2048xf32>
    %get3A_426 = arith.constant 0 : index
    %get3A_427 = arith.constant 9 : index
    %get3A_428 = vector.load %arg7[%get3A_426, %get3A_427] : memref<1x16xf32, #tpu.memory_space<vmem>>, vector<1x1xf32>
    %add3A_429 = vector.broadcast %get3A_428 : vector<1x1xf32> to vector<1x2048xf32>
    %add3A_430 = arith.addf %add3A_425, %add3A_429 : vector<1x2048xf32>
    %swap3A_431 = arith.constant 0 : index
    %swap3A_432 = arith.constant 0 : index
    %swap3A_433 = arith.constant 18432 : index
    %swap3A_434 = vector.load %arg8[%swap3A_431, %swap3A_432, %swap3A_433] : memref<1x40x32768xf32, #tpu.memory_space<vmem>>, vector<1x1x2048xf32>
    %swap3A_435 = vector.shape_cast %swap3A_434 : vector<1x1x2048xf32> to vector<1x2048xf32>
    %swap3A_436 = vector.shape_cast %add3A_430 : vector<1x2048xf32> to vector<1x1x2048xf32>
    tpu.vector_store %arg8[%swap3A_431, %swap3A_432, %swap3A_433], %swap3A_436 {strides = array<i32>} : memref<1x40x32768xf32, #tpu.memory_space<vmem>>, vector<1x1x2048xf32>,
    %get3A_437 = arith.constant 0 : index
    %get3A_438 = arith.constant 0 : index
    %get3A_439 = vector.load %arg9[%get3A_437, %get3A_438] : memref<40x2048xf32, #tpu.memory_space<vmem>>, vector<40x2048xf32>
    %swap3A_440 = arith.constant 0 : index
    %swap3A_441 = arith.constant 0 : index
    %swap3A_442 = arith.constant 20480 : index
    %swap3A_443 = vector.load %arg8[%swap3A_440, %swap3A_441, %swap3A_442] : memref<1x40x32768xf32, #tpu.memory_space<vmem>>, vector<1x40x2048xf32>
    %swap3A_444 = vector.shape_cast %swap3A_443 : vector<1x40x2048xf32> to vector<40x2048xf32>
    %swap3A_445 = vector.shape_cast %get3A_439 : vector<40x2048xf32> to vector<1x40x2048xf32>
    tpu.vector_store %arg8[%swap3A_440, %swap3A_441, %swap3A_442], %swap3A_445 {strides = array<i32>} : memref<1x40x32768xf32, #tpu.memory_space<vmem>>, vector<1x40x2048xf32>,
    %slice3A_446 = vector.extract_strided_slice %get3A_217 {offsets = [10, 0], sizes = [1, 2048], strides = [1, 1]} : vector<16x2048xf32> to vector<1x2048xf32>
    %add3A_447 = arith.addf %get3A_212, %slice3A_446 : vector<1x2048xf32>
    %get3A_448 = arith.constant 0 : index
    %get3A_449 = arith.constant 10 : index
    %get3A_450 = vector.load %arg7[%get3A_448, %get3A_449] : memref<1x16xf32, #tpu.memory_space<vmem>>, vector<1x1xf32>
    %add3A_451 = vector.broadcast %get3A_450 : vector<1x1xf32> to vector<1x2048xf32>
    %add3A_452 = arith.addf %add3A_447, %add3A_451 : vector<1x2048xf32>
    %swap3A_453 = arith.constant 0 : index
    %swap3A_454 = arith.constant 0 : index
    %swap3A_455 = arith.constant 20480 : index
    %swap3A_456 = vector.load %arg8[%swap3A_453, %swap3A_454, %swap3A_455] : memref<1x40x32768xf32, #tpu.memory_space<vmem>>, vector<1x1x2048xf32>
    %swap3A_457 = vector.shape_cast %swap3A_456 : vector<1x1x2048xf32> to vector<1x2048xf32>
    %swap3A_458 = vector.shape_cast %add3A_452 : vector<1x2048xf32> to vector<1x1x2048xf32>
    tpu.vector_store %arg8[%swap3A_453, %swap3A_454, %swap3A_455], %swap3A_458 {strides = array<i32>} : memref<1x40x32768xf32, #tpu.memory_space<vmem>>, vector<1x1x2048xf32>,
    %get3A_459 = arith.constant 0 : index
    %get3A_460 = arith.constant 0 : index
    %get3A_461 = vector.load %arg9[%get3A_459, %get3A_460] : memref<40x2048xf32, #tpu.memory_space<vmem>>, vector<40x2048xf32>
    %swap3A_462 = arith.constant 0 : index
    %swap3A_463 = arith.constant 0 : index
    %swap3A_464 = arith.constant 22528 : index
    %swap3A_465 = vector.load %arg8[%swap3A_462, %swap3A_463, %swap3A_464] : memref<1x40x32768xf32, #tpu.memory_space<vmem>>, vector<1x40x2048xf32>
    %swap3A_466 = vector.shape_cast %swap3A_465 : vector<1x40x2048xf32> to vector<40x2048xf32>
    %swap3A_467 = vector.shape_cast %get3A_461 : vector<40x2048xf32> to vector<1x40x2048xf32>
    tpu.vector_store %arg8[%swap3A_462, %swap3A_463, %swap3A_464], %swap3A_467 {strides = array<i32>} : memref<1x40x32768xf32, #tpu.memory_space<vmem>>, vector<1x40x2048xf32>,
    %slice3A_468 = vector.extract_strided_slice %get3A_217 {offsets = [11, 0], sizes = [1, 2048], strides = [1, 1]} : vector<16x2048xf32> to vector<1x2048xf32>
    %add3A_469 = arith.addf %get3A_212, %slice3A_468 : vector<1x2048xf32>
    %get3A_470 = arith.constant 0 : index
    %get3A_471 = arith.constant 11 : index
    %get3A_472 = vector.load %arg7[%get3A_470, %get3A_471] : memref<1x16xf32, #tpu.memory_space<vmem>>, vector<1x1xf32>
    %add3A_473 = vector.broadcast %get3A_472 : vector<1x1xf32> to vector<1x2048xf32>
    %add3A_474 = arith.addf %add3A_469, %add3A_473 : vector<1x2048xf32>
    %swap3A_475 = arith.constant 0 : index
    %swap3A_476 = arith.constant 0 : index
    %swap3A_477 = arith.constant 22528 : index
    %swap3A_478 = vector.load %arg8[%swap3A_475, %swap3A_476, %swap3A_477] : memref<1x40x32768xf32, #tpu.memory_space<vmem>>, vector<1x1x2048xf32>
    %swap3A_479 = vector.shape_cast %swap3A_478 : vector<1x1x2048xf32> to vector<1x2048xf32>
    %swap3A_480 = vector.shape_cast %add3A_474 : vector<1x2048xf32> to vector<1x1x2048xf32>
    tpu.vector_store %arg8[%swap3A_475, %swap3A_476, %swap3A_477], %swap3A_480 {strides = array<i32>} : memref<1x40x32768xf32, #tpu.memory_space<vmem>>, vector<1x1x2048xf32>,
    %get3A_481 = arith.constant 0 : index
    %get3A_482 = arith.constant 0 : index
    %get3A_483 = vector.load %arg9[%get3A_481, %get3A_482] : memref<40x2048xf32, #tpu.memory_space<vmem>>, vector<40x2048xf32>
    %swap3A_484 = arith.constant 0 : index
    %swap3A_485 = arith.constant 0 : index
    %swap3A_486 = arith.constant 24576 : index
    %swap3A_487 = vector.load %arg8[%swap3A_484, %swap3A_485, %swap3A_486] : memref<1x40x32768xf32, #tpu.memory_space<vmem>>, vector<1x40x2048xf32>
    %swap3A_488 = vector.shape_cast %swap3A_487 : vector<1x40x2048xf32> to vector<40x2048xf32>
    %swap3A_489 = vector.shape_cast %get3A_483 : vector<40x2048xf32> to vector<1x40x2048xf32>
    tpu.vector_store %arg8[%swap3A_484, %swap3A_485, %swap3A_486], %swap3A_489 {strides = array<i32>} : memref<1x40x32768xf32, #tpu.memory_space<vmem>>, vector<1x40x2048xf32>,
    %slice3A_490 = vector.extract_strided_slice %get3A_217 {offsets = [12, 0], sizes = [1, 2048], strides = [1, 1]} : vector<16x2048xf32> to vector<1x2048xf32>
    %add3A_491 = arith.addf %get3A_212, %slice3A_490 : vector<1x2048xf32>
    %get3A_492 = arith.constant 0 : index
    %get3A_493 = arith.constant 12 : index
    %get3A_494 = vector.load %arg7[%get3A_492, %get3A_493] : memref<1x16xf32, #tpu.memory_space<vmem>>, vector<1x1xf32>
    %add3A_495 = vector.broadcast %get3A_494 : vector<1x1xf32> to vector<1x2048xf32>
    %add3A_496 = arith.addf %add3A_491, %add3A_495 : vector<1x2048xf32>
    %swap3A_497 = arith.constant 0 : index
    %swap3A_498 = arith.constant 0 : index
    %swap3A_499 = arith.constant 24576 : index
    %swap3A_500 = vector.load %arg8[%swap3A_497, %swap3A_498, %swap3A_499] : memref<1x40x32768xf32, #tpu.memory_space<vmem>>, vector<1x1x2048xf32>
    %swap3A_501 = vector.shape_cast %swap3A_500 : vector<1x1x2048xf32> to vector<1x2048xf32>
    %swap3A_502 = vector.shape_cast %add3A_496 : vector<1x2048xf32> to vector<1x1x2048xf32>
    tpu.vector_store %arg8[%swap3A_497, %swap3A_498, %swap3A_499], %swap3A_502 {strides = array<i32>} : memref<1x40x32768xf32, #tpu.memory_space<vmem>>, vector<1x1x2048xf32>,
    %get3A_503 = arith.constant 0 : index
    %get3A_504 = arith.constant 0 : index
    %get3A_505 = vector.load %arg9[%get3A_503, %get3A_504] : memref<40x2048xf32, #tpu.memory_space<vmem>>, vector<40x2048xf32>
    %swap3A_506 = arith.constant 0 : index
    %swap3A_507 = arith.constant 0 : index
    %swap3A_508 = arith.constant 26624 : index
    %swap3A_509 = vector.load %arg8[%swap3A_506, %swap3A_507, %swap3A_508] : memref<1x40x32768xf32, #tpu.memory_space<vmem>>, vector<1x40x2048xf32>
    %swap3A_510 = vector.shape_cast %swap3A_509 : vector<1x40x2048xf32> to vector<40x2048xf32>
    %swap3A_511 = vector.shape_cast %get3A_505 : vector<40x2048xf32> to vector<1x40x2048xf32>
    tpu.vector_store %arg8[%swap3A_506, %swap3A_507, %swap3A_508], %swap3A_511 {strides = array<i32>} : memref<1x40x32768xf32, #tpu.memory_space<vmem>>, vector<1x40x2048xf32>,
    %slice3A_512 = vector.extract_strided_slice %get3A_217 {offsets = [13, 0], sizes = [1, 2048], strides = [1, 1]} : vector<16x2048xf32> to vector<1x2048xf32>
    %add3A_513 = arith.addf %get3A_212, %slice3A_512 : vector<1x2048xf32>
    %get3A_514 = arith.constant 0 : index
    %get3A_515 = arith.constant 13 : index
    %get3A_516 = vector.load %arg7[%get3A_514, %get3A_515] : memref<1x16xf32, #tpu.memory_space<vmem>>, vector<1x1xf32>
    %add3A_517 = vector.broadcast %get3A_516 : vector<1x1xf32> to vector<1x2048xf32>
    %add3A_518 = arith.addf %add3A_513, %add3A_517 : vector<1x2048xf32>
    %swap3A_519 = arith.constant 0 : index
    %swap3A_520 = arith.constant 0 : index
    %swap3A_521 = arith.constant 26624 : index
    %swap3A_522 = vector.load %arg8[%swap3A_519, %swap3A_520, %swap3A_521] : memref<1x40x32768xf32, #tpu.memory_space<vmem>>, vector<1x1x2048xf32>
    %swap3A_523 = vector.shape_cast %swap3A_522 : vector<1x1x2048xf32> to vector<1x2048xf32>
    %swap3A_524 = vector.shape_cast %add3A_518 : vector<1x2048xf32> to vector<1x1x2048xf32>
    tpu.vector_store %arg8[%swap3A_519, %swap3A_520, %swap3A_521], %swap3A_524 {strides = array<i32>} : memref<1x40x32768xf32, #tpu.memory_space<vmem>>, vector<1x1x2048xf32>,
    %get3A_525 = arith.constant 0 : index
    %get3A_526 = arith.constant 0 : index
    %get3A_527 = vector.load %arg9[%get3A_525, %get3A_526] : memref<40x2048xf32, #tpu.memory_space<vmem>>, vector<40x2048xf32>
    %swap3A_528 = arith.constant 0 : index
    %swap3A_529 = arith.constant 0 : index
    %swap3A_530 = arith.constant 28672 : index
    %swap3A_531 = vector.load %arg8[%swap3A_528, %swap3A_529, %swap3A_530] : memref<1x40x32768xf32, #tpu.memory_space<vmem>>, vector<1x40x2048xf32>
    %swap3A_532 = vector.shape_cast %swap3A_531 : vector<1x40x2048xf32> to vector<40x2048xf32>
    %swap3A_533 = vector.shape_cast %get3A_527 : vector<40x2048xf32> to vector<1x40x2048xf32>
    tpu.vector_store %arg8[%swap3A_528, %swap3A_529, %swap3A_530], %swap3A_533 {strides = array<i32>} : memref<1x40x32768xf32, #tpu.memory_space<vmem>>, vector<1x40x2048xf32>,
    %slice3A_534 = vector.extract_strided_slice %get3A_217 {offsets = [14, 0], sizes = [1, 2048], strides = [1, 1]} : vector<16x2048xf32> to vector<1x2048xf32>
    %add3A_535 = arith.addf %get3A_212, %slice3A_534 : vector<1x2048xf32>
    %get3A_536 = arith.constant 0 : index
    %get3A_537 = arith.constant 14 : index
    %get3A_538 = vector.load %arg7[%get3A_536, %get3A_537] : memref<1x16xf32, #tpu.memory_space<vmem>>, vector<1x1xf32>
    %add3A_539 = vector.broadcast %get3A_538 : vector<1x1xf32> to vector<1x2048xf32>
    %add3A_540 = arith.addf %add3A_535, %add3A_539 : vector<1x2048xf32>
    %swap3A_541 = arith.constant 0 : index
    %swap3A_542 = arith.constant 0 : index
    %swap3A_543 = arith.constant 28672 : index
    %swap3A_544 = vector.load %arg8[%swap3A_541, %swap3A_542, %swap3A_543] : memref<1x40x32768xf32, #tpu.memory_space<vmem>>, vector<1x1x2048xf32>
    %swap3A_545 = vector.shape_cast %swap3A_544 : vector<1x1x2048xf32> to vector<1x2048xf32>
    %swap3A_546 = vector.shape_cast %add3A_540 : vector<1x2048xf32> to vector<1x1x2048xf32>
    tpu.vector_store %arg8[%swap3A_541, %swap3A_542, %swap3A_543], %swap3A_546 {strides = array<i32>} : memref<1x40x32768xf32, #tpu.memory_space<vmem>>, vector<1x1x2048xf32>,
    %get3A_547 = arith.constant 0 : index
    %get3A_548 = arith.constant 0 : index
    %get3A_549 = vector.load %arg9[%get3A_547, %get3A_548] : memref<40x2048xf32, #tpu.memory_space<vmem>>, vector<40x2048xf32>
    %swap3A_550 = arith.constant 0 : index
    %swap3A_551 = arith.constant 0 : index
    %swap3A_552 = arith.constant 30720 : index
    %swap3A_553 = vector.load %arg8[%swap3A_550, %swap3A_551, %swap3A_552] : memref<1x40x32768xf32, #tpu.memory_space<vmem>>, vector<1x40x2048xf32>
    %swap3A_554 = vector.shape_cast %swap3A_553 : vector<1x40x2048xf32> to vector<40x2048xf32>
    %swap3A_555 = vector.shape_cast %get3A_549 : vector<40x2048xf32> to vector<1x40x2048xf32>
    tpu.vector_store %arg8[%swap3A_550, %swap3A_551, %swap3A_552], %swap3A_555 {strides = array<i32>} : memref<1x40x32768xf32, #tpu.memory_space<vmem>>, vector<1x40x2048xf32>,
    %slice3A_556 = vector.extract_strided_slice %get3A_217 {offsets = [15, 0], sizes = [1, 2048], strides = [1, 1]} : vector<16x2048xf32> to vector<1x2048xf32>
    %add3A_557 = arith.addf %get3A_212, %slice3A_556 : vector<1x2048xf32>
    %get3A_558 = arith.constant 0 : index
    %get3A_559 = arith.constant 15 : index
    %get3A_560 = vector.load %arg7[%get3A_558, %get3A_559] : memref<1x16xf32, #tpu.memory_space<vmem>>, vector<1x1xf32>
    %add3A_561 = vector.broadcast %get3A_560 : vector<1x1xf32> to vector<1x2048xf32>
    %add3A_562 = arith.addf %add3A_557, %add3A_561 : vector<1x2048xf32>
    %swap3A_563 = arith.constant 0 : index
    %swap3A_564 = arith.constant 0 : index
    %swap3A_565 = arith.constant 30720 : index
    %swap3A_566 = vector.load %arg8[%swap3A_563, %swap3A_564, %swap3A_565] : memref<1x40x32768xf32, #tpu.memory_space<vmem>>, vector<1x1x2048xf32>
    %swap3A_567 = vector.shape_cast %swap3A_566 : vector<1x1x2048xf32> to vector<1x2048xf32>
    %swap3A_568 = vector.shape_cast %add3A_562 : vector<1x2048xf32> to vector<1x1x2048xf32>
    tpu.vector_store %arg8[%swap3A_563, %swap3A_564, %swap3A_565], %swap3A_568 {strides = array<i32>} : memref<1x40x32768xf32, #tpu.memory_space<vmem>>, vector<1x1x2048xf32>,
    return
  }
  func.func @transform_0(%arg0: i32) -> (i32, i32, i32) {
    %c0_i32 = arith.constant 0 : i32
    %c0_i32_0 = arith.constant 0 : i32
    %c0_i32_1 = arith.constant 0 : i32
    return %arg0, %c0_i32, %c0_i32_0 : i32, i32, i32
  }
  func.func @transform_1(%arg0: i32) -> (i32, i32, i32) {
    %c0_i32 = arith.constant 0 : i32
    %c0_i32_0 = arith.constant 0 : i32
    %c0_i32_1 = arith.constant 0 : i32
    %c0_i32_2 = arith.constant 0 : i32
    return %c0_i32, %c0_i32_0, %c0_i32_1 : i32, i32, i32
  }
  func.func @transform_2(%arg0: i32) -> (i32, i32, i32) {
    %c0_i32 = arith.constant 0 : i32
    %c0_i32_0 = arith.constant 0 : i32
    %c0_i32_1 = arith.constant 0 : i32
    %c0_i32_2 = arith.constant 0 : i32
    return %c0_i32, %c0_i32_0, %c0_i32_1 : i32, i32, i32
  }
  func.func @transform_3(%arg0: i32) -> (i32, i32) {
    %c0_i32 = arith.constant 0 : i32
    %c0_i32_0 = arith.constant 0 : i32
    %c0_i32_1 = arith.constant 0 : i32
    return %c0_i32, %c0_i32_0 : i32, i32
  }
  func.func @transform_4(%arg0: i32) -> (i32, i32) {
    %c0_i32 = arith.constant 0 : i32
    %c0_i32_0 = arith.constant 0 : i32
    %c0_i32_1 = arith.constant 0 : i32
    return %c0_i32, %c0_i32_0 : i32, i32
  }
  func.func @transform_5(%arg0: i32) -> (i32, i32) {
    %c0_i32 = arith.constant 0 : i32
    %c0_i32_0 = arith.constant 0 : i32
    %c0_i32_1 = arith.constant 0 : i32
    return %c0_i32, %c0_i32_0 : i32, i32
  }
  func.func @transform_6(%arg0: i32) -> (i32, i32) {
    %c0_i32 = arith.constant 0 : i32
    %c0_i32_0 = arith.constant 0 : i32
    %c0_i32_1 = arith.constant 0 : i32
    return %c0_i32, %c0_i32_0 : i32, i32
  }
  func.func @transform_7(%arg0: i32) -> (i32, i32, i32) {
    %c0_i32 = arith.constant 0 : i32
    %c0_i32_0 = arith.constant 0 : i32
    %c0_i32_1 = arith.constant 0 : i32
    return %arg0, %c0_i32, %c0_i32_0 : i32, i32, i32
  }
}

</mosaic_0001>

<sc_bundles>
// kernel: kernel.4.cloned.1.call-start
scs
__scs_entry_jumppad:
0x0: {  	(pc) =	sbr.rel $0x88, $3  }
0x1: {  	(tag) =	ssettag $0x0;
	lr =	simm.s32 $0x1  }
0x2: {  	[smem:$0x3F9A] =	sst lr;
	_ =	strace $0xD0000000  }
0x3: {  	_ = 	snop  }
0x4: {  	_ = 	snop  }
0x5: {  	_ = 	snop  }
0x6: {  	_ = 	snop  }
0x7: {  	_ = 	snop  }
__scs_overlays_trampoline_lowered:
0x8: {  	[smem:$0x3FA9] =	sst s0  }
0x9: {  	[smem:$0x3FAA] =	sst s1  }
0xa: {  	[smem:$0x3FAB] =	sst s2  }
0xb: {  	[smem:$0x3FAC] =	sst s3  }
0xc: {  	[smem:$0x3FAD] =	sst s4  }
0xd: {  	[smem:$0x3FAE] =	sst s5  }
0xe: {  	[smem:$0x3FAF] =	sst s6  }
0xf: {  	[smem:$0x3FB0] =	sst s7  }
0x10: {  	[smem:$0x3FB1] =	sst s8  }
0x11: {  	[smem:$0x3FB2] =	sst s9;
	s0 =	simm.s32 @!p0 $0x0  }
0x12: {  	s1 =	sld [smem:$0x3F98];
	s0 =	simm.s32 @p0 $0x1  }
0x13: {  	[smem:$0x3FB3] =	sst s0;
	s0 =	simm.s32 @!p1 $0x0  }
0x14: {  	s2 =	sld [smem:$0x3F97];
	s0 =	simm.s32 @p1 $0x1  }
0x15: {  	[smem:$0x3FB4] =	sst s0;
	s0 =	simm.s32 @!p2 $0x0  }
0x16: {  	s3 =	sld [smem:$0x3FDB];
	s0 =	simm.s32 @p2 $0x1  }
0x17: {  	s4 =	simm.s32 $0x1BF5;
	[smem:$0x3FB6] =	sst s0  }
0x18: {  	s0 =	sld [smem:$0x3F99];
	_ =	swait.ge [sflag:s4], $0x0  }
0x19: {  	s7 =	sld [smem:$0x3F9A]  }
0x1a: {  	s8 =	sadd.s32 $0xFFFFE003, lr  }
0x1b: {  	s9 =	sadd.s32 $0xFFFFFEF7, lr;
	s5 =	simm.s32 $0xFFFFFFFF;
	p2 =	slt.u32 s8, $0xFFFFF086  }
0x1c: {  	p1 =	slt.u32 s9, $0xF7A;
	s5 =	simm.s32 @!p2 $0x0  }
0x1d: {  	s5 =	simm.s32 @p1 $0x1;
	p0 =	seq.s32 s7, s2  }
0x1e: {  	s7 =	smul.u32 @!p0 $0xF7A, s2;
	p2 =	seq.s32 @!p0 s5, $0x0  }
0x1f: {  	s9 =	smul.u32 $0xF7A, s1;
	s8 =	simm.s32 @!p0 $0x1BF5;
	p2 =	por !p2, p0  }
0x20: {  	[sflag:s8] =	ssyncset.s32 @!p0 $0xFFFFF086;
	s6 =	sadd.s32 @!p0 s3, s7;
	s7 =	simm.s32 @!p0 $0x108  }
0x21: {  	s3 =	sadd.s32 s3, s9;
	s6 =	sadd.s32 @!p0 $0x88, s6;
	s7 =	simm.s32 @p2 $0x1082  }
0x22: {  	[simem:s7], [sflag:s8] =	dma.local @!p0 [hbm:s6], $0xF7A  }
0x23: {  	s9 =	sor.u32 $0xD0000000, s2;
	s6 =	simm.s32 $0x108;
	_ =	swait.ge @!p0 [sflag:s8], $0x0  }
0x24: {  	s3 =	sadd.s32 $0x88, s3;
	s6 =	simm.s32 @!p1 $0x1082;
	[sflag:s4] =	ssyncset.s32 $0xFFFFF086  }
0x25: {  	[simem:s6], [sflag:s4] =	dma.local [hbm:s3], $0xF7A  }
0x26: {  	[smem:$0x3F9A] =	sst s1;
	(tag) =	ssettag s2;
	_ =	strace s9  }
0x27: {  	s1 =	sld [smem:$0x3FAA]  }
0x28: {  	s2 =	sld [smem:$0x3FAB]  }
0x29: {  	s4 =	sld [smem:$0x3FAD]  }
0x2a: {  	p0 =	seq.s32 s5, $0x0;
	s5 =	sld [smem:$0x3FAE]  }
0x2b: {  	s6 =	sld [smem:$0x3FAF]  }
0x2c: {  	s7 =	sld [smem:$0x3FB0]  }
0x2d: {  	s3 =	simm.s32 $0x108;
	s8 =	sld [smem:$0x3FB1]  }
0x2e: {  	s3 =	simm.s32 @!p0 $0x1082;
	s9 =	sld [smem:$0x3FB2]  }
0x2f: {  	lr =	sadd.s32 s0, s3;
	s0 =	sld [smem:$0x3FA9]  }
0x30: {  	s3 =	sld [smem:$0x3FAC]  }
0x31: {  	[smem:$0x3FB5] =	sst s10  }
0x32: {  	s10 =	sld [smem:$0x3FB3];
	_ =	sdelay $0x3  }
0x33: {  	p0 =	seq.s32 s10, $0x1;
	s10 =	sld [smem:$0x3FB5];
	_ =	sdelay $0x3  }
0x34: {  	[smem:$0x3FB5] =	sst s10  }
0x35: {  	s10 =	sld [smem:$0x3FB4];
	_ =	sdelay $0x3  }
0x36: {  	p1 =	seq.s32 s10, $0x1;
	s10 =	sld [smem:$0x3FB5];
	_ =	sdelay $0x3  }
0x37: {  	[smem:$0x3FB5] =	sst s10  }
0x38: {  	s10 =	sld [smem:$0x3FB6]  }
0x39: {  	_ = 	snop;
	(pc) =	sbr.ind lr, $3  }
0x3a: {  	_ = 	snop  }
0x3b: {  	_ = 	snop  }
0x3c: {  	p2 =	seq.s32 s10, $0x1;
	s10 =	sld [smem:$0x3FB5]  }
0x3d: {  	_ =	shalt  }
0x3e: {  	_ =	shalt  }
0x3f: {  	_ =	shalt  }
0x40: {  	_ =	shalt  }
0x41: {  	_ =	shalt  }
0x42: {  	_ =	shalt  }
0x43: {  	_ =	shalt  }
0x44: {  	_ =	shalt  }
0x45: {  	_ =	shalt  }
0x46: {  	_ =	shalt  }
0x47: {  	_ =	shalt  }
0x48: {  	_ =	shalt  }
0x49: {  	_ =	shalt  }
0x4a: {  	_ =	shalt  }
0x4b: {  	_ =	shalt  }
0x4c: {  	_ =	shalt  }
0x4d: {  	_ =	shalt  }
0x4e: {  	_ =	shalt  }
0x4f: {  	_ =	shalt  }
0x50: {  	_ =	shalt  }
0x51: {  	_ =	shalt  }
0x52: {  	_ =	shalt  }
0x53: {  	_ =	shalt  }
0x54: {  	_ =	shalt  }
0x55: {  	_ =	shalt  }
0x56: {  	_ =	shalt  }
0x57: {  	_ =	shalt  }
0x58: {  	_ =	shalt  }
0x59: {  	_ =	shalt  }
0x5a: {  	_ =	shalt  }
0x5b: {  	_ =	shalt  }
0x5c: {  	_ =	shalt  }
0x5d: {  	_ =	shalt  }
0x5e: {  	_ =	shalt  }
0x5f: {  	_ =	shalt  }
0x60: {  	_ =	shalt  }
0x61: {  	_ =	shalt  }
0x62: {  	_ =	shalt  }
0x63: {  	_ =	shalt  }
0x64: {  	_ =	shalt  }
0x65: {  	_ =	shalt  }
0x66: {  	_ =	shalt  }
0x67: {  	_ =	shalt  }
0x68: {  	_ =	shalt  }
0x69: {  	_ =	shalt  }
0x6a: {  	_ =	shalt  }
0x6b: {  	_ =	shalt  }
0x6c: {  	_ =	shalt  }
0x6d: {  	_ =	shalt  }
0x6e: {  	_ =	shalt  }
0x6f: {  	_ =	shalt  }
0x70: {  	_ =	shalt  }
0x71: {  	_ =	shalt  }
0x72: {  	_ =	shalt  }
0x73: {  	_ =	shalt  }
0x74: {  	_ =	shalt  }
0x75: {  	_ =	shalt  }
0x76: {  	_ =	shalt  }
0x77: {  	_ =	shalt  }
0x78: {  	_ =	shalt  }
0x79: {  	_ =	shalt  }
0x7a: {  	_ =	shalt  }
0x7b: {  	_ =	shalt  }
0x7c: {  	_ =	shalt  }
0x7d: {  	_ =	shalt  }
0x7e: {  	_ =	shalt  }
0x7f: {  	_ =	shalt  }
0x80: {  	_ =	shalt  }
0x81: {  	_ =	shalt  }
0x82: {  	_ =	shalt  }
0x83: {  	_ =	shalt  }
0x84: {  	_ =	shalt  }
0x85: {  	_ =	shalt  }
0x86: {  	_ =	shalt  }
0x87: {  	_ =	shalt  }
.Lfunc_end0:
.L_simem_size_0:
called_computation_lowered:
.L_overlay_start_0:
0x88: {  	s2 =	sld [smem:$0x3FD9]  }
0x89: {  	s3 =	sld [smem:$0x3FFE];
	_ =	sdelay $0x1  }
0x8a: {  	s1 =	srdreg.scid  }
0x8b: {  	s0 =	sand.u32 $0x1, s1  }
0x8c: {  	s15 =	sshll.u32 s0, $0xA;
	s2 =	sadd.s32 s3, s2  }
0x8d: {  	s2 =	sadd.s32 s2, s15  }
0x8e: {  	[smem:$0x3FC1] =	sst s2  }
0x8f: {  	_ = 	snop  }
0x90: {  	s2 =	sld [smem:$0x3FD0];
	_ =	sdelay $0x2  }
0x91: {  	s16 =	simm.s32 $0xA;
	s4 =	simm.s32 $0x10  }
0x92: {  	[smem:s4], [sflag:s16] =	dma.local [hbm:s2], $0x1  }
0x93: {  	_ =	swait.eq [sflag:s16], $0x1  }
0x94: {  	[sflag:s16] =	ssyncset.done $0x0  }
0x95: {  	[sflag:s16] =	ssyncadd.s32 $0xFFFFFFFF  }
0x96: {  	s17 =	sld [smem:$0x11];
	(tm) =	ssettm $0x1  }
0x97: {  	s18 =	sld [smem:$0x3FFB];
	_ =	sdelay $0x3  }
0x98: {  	_ =	strace s18  }
0x99: {  	s3 =	sld [smem:$0x3FFC];
	_ =	sdelay $0x3  }
0x9a: {  	_ =	strace s3  }
0x9b: {  	s3 =	sld [smem:$0x3FFD];
	_ =	sdelay $0x3  }
0x9c: {  	_ =	strace s3  }
0x9d: {  	_ =	strace $0x8FFFFFFF  }
0x9e: {  	s19 =	sld [smem:$0x3FDB];
	_ =	sdelay $0x1  }
0x9f: {  	s20 =	simm.s32 $_scs_section_size  }
0xa0: {  	s5 =	simm.s32 $_size__tile_overlayer_lowered;
	s6 =	simm.s32 $_tile_overlayer_lowered  }
0xa1: {  	s23 =	simm.s32 $0x1BFF;
	s22 =	sshll.u32 s6, $0x1;
	s3 =	sadd.s32 s20, s19  }
0xa2: {  	s7 =	simm.s32 $0x0;
	s21 =	sshll.u32 s5, $0x1;
	s5 =	sadd.s32 s22, s3  }
0xa3: {  	[timem:s7], [sflag:s23] =	dma.local [hbm:s5], s21  }
0xa4: {  	_ =	swait.ge [sflag:s23], s21  }
0xa5: {  	s4 =	ssub.s32 $0x0, s21;
	[sflag:s23] =	ssyncset.done $0x0  }
0xa6: {  	[sflag:s23] =	ssyncadd.s32 s4;
	_ =	sdelay $0x1  }
0xa7: {  	s24 =	simm.s32 $0x1B8B  }
0xa8: {  	_ =	swait.ge [sflag:s24], $0x1  }
0xa9: {  	[sflag:s24] =	ssyncset.done $0x0  }
0xaa: {  	s25 =	simm.s32 $0x1B8E;
	[sflag:s24] =	ssyncadd.s32 $0xFFFFFFFF  }
0xab: {  	s26 =	simm.s32 $execute0_lowered;
	[smem:$0x3FD2] =	sst s25  }
0xac: {  	s4 =	sshll.u32 s26, $0x1;
	_ =	strace $0x80000046;
	[dreg:$0x1] =	wrdreg $0xFFFFFFFF  }
0xad: {  	s28 =	simm.s32 $_size_execute0_lowered;
	s3 =	sadd.s32 s3, s4;
	[dreg:$0x0] =	wrdreg $0x0  }
0xae: {  	s4 =	sshll.u32 s28, $0x1;
	[dreg:$0x2] =	wrdreg s3  }
0xaf: {  	[dreg:$0x3] =	wrdreg s4  }
0xb0: {  	[dreg:$0x4] =	wrdreg $0xC0  }
0xb1: {  	_ =	task [dreg:s7], $0x5FFFF  }
0xb2: {  	[dreg:$0x1] =	wrdreg $0xFFFFFFFF  }
0xb3: {  	[dreg:$0x0] =	wrdreg $0x60  }
0xb4: {  	[dreg:$0x2] =	wrdreg s17  }
0xb5: {  	[dreg:$0x3] =	wrdreg $0x9  }
0xb6: {  	_ =	task.clear_ibuf [dreg:s7], $0x4FFFF;
	_ =	strace $0x90000046  }
0xb7: {  	s29 =	simm.s32 $0x9;
	_ =	strace $0x80000048  }
0xb8: {  	_ =	swait.ge [sflag:s29], $0x1  }
0xb9: {  	[sflag:s29] =	ssyncadd.s32 $0xFFFFFFFF  }
0xba: {  	_ =	strace $0x90000048  }
0xbb: {  	_ =	sfence  }
0xbc: {  	s30 =	sld [smem:$0x0];
	_ =	sdelay $0x2  }
0xbd: {  	s31 =	sshll.u32 s1, $0xD;
	s1 =	sshrl.u32 s1, $0x2  }
0xbe: {  	s3 =	sand.u32 $0x4000, s31;
	s1 =	sadd.s32 s1, s30  }
0xbf: {  	s0 =	sor.u32 s3, s0;
	s1 =	sshll.u32 s1, $0x11  }
0xc0: {  	s0 =	sor.u32 s1, s0  }
0xc1: {  	s0 =	sadd.s32 $0x8F2B, s0  }
0xc2: {  	[sflag:s0] =	ssyncadd.remote.s32 $0x1  }
0xc3: {  	_ =	sfence.sel $0xFFFF  }
0xc4: {  	[dreg:$0x0] =	wrdreg $0xFFFFFFFF;
	(pc) =	sbr.abs _section_cstart, $3  }
0xc5: {  	[dreg:$0x1] =	wrdreg $0xFFFFFFFF  }
0xc6: {  	_ =	task.clear_ibuf [dreg:s7], $0x2FFFF;
	_ =	strace $0x9FFFFFFF  }
0xc7: {  	(tm) =	ssettm $0x7FFFFFFF  }
tec
execute0_lowered:
.L_overlay_start_1:
0x0: {  	(tag) =	ssettag $0x1  }
0x1: {  	s4 =	rddreg [dreg:$0x0]  }
0x2: {  	s0 =	rddreg [dreg:$0x1];
	s2 =	simm.s32 $0x0;
	s3 =	srdreg.scid  }
0x3: {  	s1 =	stileid.u32;
	s9 =	simm.s32 $0x0;
	[smem:$0x7FF] =	sst s2  }
0x4: {  	s3 =	sand.u32 $0x1, s3;
	s6 =	sshll.u32 s1, $0x1;
	s8 =	sshll.u32 s1, $0x3  }
0x5: {  	_ =	strace $0x80000047;
	s5 =	ssub.s32 $0x2, s3;
	s6 =	sand.u32 $0x2, s6  }
0x6: {  	s31 =	sand.u32 $0x70, s8;
	s8 =	simm.s32 $0x1;
	s7 =	sshrl.u32 s5, $0x1  }
0x7: {  	s6 =	sor.u32 s3, s6;
	s4 =	sadd.s32 s4, s31;
	s5 =	ssub.s32 s5, s7  }
0x8: {  	s3 =	sshll.u32 s6, $0x2;
	s6 =	sshll.u32 s6, $0xD;
	s7 =	simm.s32 $0x400  }
0x9: {  	s4 =	sadd.s32 s6, s4;
	s5 =	smax.u32 s5, $0x1;
	s6 =	simm.s32 $0x80  }
.LBB2_1:
0xa: {  	s10 =	sadd.s32 $0x0, s3  }
0xb: {  	v0 =	vmov s10  }
0xc: {  	s11 =	simm.s32 $0x0;
	s10 =	simm.s32 $0x1;
	[tilespmem:s2+$0x0] =	vst v0  }
.LBB2_2:
0xd: {  	p0 =	sne.s32 s10, $0x1FF  }
.Ltmp0:
0xe: {  	_ = 	snop;
	(pc) =	sbr.rel @p0 .LBB2_2-.Ltmp0, $4  }
0xf: {  	s12 =	sshrl.u32 s10, $0x7  }
0x10: {  	s12 =	sadd.s32 s3, s12  }
0x11: {  	s11 =	sadd.s32 $0x10, s11;
	v0 =	vmov s12  }
0x12: {  	s10 =	sadd.s32 $0x1, s10;
	[tilespmem:s11+$0x0] =	vst v0  }
0x13: {  	s9 =	sadd.s32 $0x1, s9  }
0x14: {  	p0 =	sne.s32 s9, s5  }
.Ltmp1:
0x15: {  	_ = 	snop;
	(pc) =	sbr.rel @p0 .LBB2_1-.Ltmp1, $4  }
0x16: {  	[hbm4b:s4+s6] =	stream.strided.scatter [tilespmem:s2], [sflag:$0x1], $0x2000, s7, s6, $0x38;
	[tilespmem:$0x2000] =	vst v63  }
0x17: {  	_ =	swait.ge [sflag:s8], $0x2000  }
0x18: {  	[sflag:s8] =	ssyncset.done $0x0  }
0x19: {  	[sflag:s8] =	ssyncadd.s32 $0xFFFFE000  }
0x1a: {  	_ =	sfence.sel $0x180000  }
0x1b: {  	[bflag:$0x0] =	sbarrier.arrive $0xFFFF  }
0x1c: {  	p0 =	sne.s32 s1, $0x0;
	_ =	strace $0x90000047  }
0x1d: {  	s0 =	sadd.s32 @!p0 $0x100000, s0;
	[bflag:$0x2] =	sbarrier.arrive $0xFFFF  }
0x1e: {  	[sflag:s0] =	ssyncadd.tile.s32 @!p0 $0x1;
	_ =	shalt  }
.Lfunc_end2:
_tile_overlayer_lowered:
.L_overlay_start_2:
0x1f: {  	(tag) =	ssettag $0x2  }
0x20: {  	s0 =	rddreg [dreg:$0x0];
	s2 =	stileid.u32  }
0x21: {  	s1 =	rddreg [dreg:$0x1];
	p0 =	sne.s32 s2, $0x0  }
0x22: {  	s3 =	rddreg [dreg:$0x2];
	[bflag:$0x3] =	sbarrier.arrive $0xFFFF;
	s2 =	simm.s32 @!p0 $0x1C01  }
0x23: {  	[timem:s3], [sflag:s2] =	dma.local @!p0 [hbm:s0], s1  }
0x24: {  	s0 =	simm.s32 @!p0 $0x1  }
0x25: {  	_ =	swait.ge @!p0 [sflag:s0], s1  }
0x26: {  	s1 =	ssub.s32 @!p0 $0x0, s1;
	[sflag:s0] =	ssyncset.done @!p0 $0x0  }
0x27: {  	[sflag:s0] =	ssyncadd.s32 @!p0 s1  }
0x28: {  	[bflag:$0x3] =	sbarrier.arrive $0xFFFF  }
0x29: {  	_ =	shalt  }

</sc_bundles>
